<compile_context>
chip_gen: v7x
topology: tpu7x:2x2x1
jax: 0.10.2.dev20260603
libtpu: 0.0.44.dev20260713+nightly
codegen_flags: <defaults>
</compile_context>

<pallas_src>
import functools

import jax
import jax.numpy as jnp
from jax import lax
from jax.experimental import pallas as pl
from jax.experimental.pallas import tpu as pltpu
from jax.experimental.pallas import tpu_sc as plsc

N = 10000
F = 128
G = 64
OUT = 10

NC = 2
NS = 16
NW = NC * NS

C = 128
CH = 80
H2 = 2
CHH = CH // H2
EW = C * CH
EPAD = EW * NW
SUB = 632
ACC_R = NS * SUB


def _sc_segsum_body(table_hbm, src_hbm, dst_hbm, zeros_hbm, out_hbm,
                    src_v, dst_v, rows_a, rows_b, acc, sem_a, sem_b):
    cid = lax.axis_index("c")
    sid = lax.axis_index("s")
    wid = sid * NC + cid

    pltpu.sync_copy(zeros_hbm, acc.at[pl.ds(sid * SUB, SUB)])
    plsc.subcore_barrier()

    def half(h, carry):
        pltpu.sync_copy(src_hbm.at[wid, pl.ds(h * CHH, CHH)], src_v)
        pltpu.sync_copy(dst_hbm.at[wid, pl.ds(h * CHH, CHH)], dst_v)
        pltpu.async_copy(table_hbm.at[src_v.at[0]], rows_a, sem_a)

        def pair(k, carry2):
            c0 = 2 * k
            pltpu.async_copy(table_hbm.at[src_v.at[c0 + 1]], rows_b, sem_b)
            pltpu.make_async_copy(table_hbm.at[src_v.at[0]], rows_a,
                                  sem_a).wait()
            pltpu.sync_copy(rows_a, acc.at[dst_v.at[c0]], add=True)
            nxt = lax.rem(c0 + 2, CHH)
            pltpu.async_copy(table_hbm.at[src_v.at[nxt]], rows_a, sem_a)
            pltpu.make_async_copy(table_hbm.at[src_v.at[0]], rows_b,
                                  sem_b).wait()
            pltpu.sync_copy(rows_b, acc.at[dst_v.at[c0 + 1]], add=True)
            return carry2

        lax.fori_loop(0, CHH // 2, pair, 0)
        pltpu.make_async_copy(table_hbm.at[src_v.at[0]], rows_a, sem_a).wait()
        return carry

    lax.fori_loop(0, H2, half, 0)
    plsc.subcore_barrier()

    pltpu.sync_copy(acc.at[pl.ds(sid * SUB, SUB)],
                    out_hbm.at[cid, pl.ds(sid * SUB, SUB)])


@functools.cache
def _get_sc_segsum():
    return pl.kernel(
        _sc_segsum_body,
        out_type=jax.ShapeDtypeStruct((NC, ACC_R, F), jnp.float32),
        mesh=plsc.VectorSubcoreMesh(core_axis_name="c", subcore_axis_name="s",
                                    num_cores=NC, num_subcores=NS),
        scratch_types=[
            pltpu.VMEM((CHH, C), jnp.int32),
            pltpu.VMEM((CHH, C), jnp.int32),
            pltpu.VMEM((C, F), jnp.float32),
            pltpu.VMEM((C, F), jnp.float32),
            pltpu.VMEM_SHARED((ACC_R, F), jnp.float32),
            pltpu.SemaphoreType.DMA,
            pltpu.SemaphoreType.DMA,
        ],
    )


def _elu(t):
    return jnp.where(t > 0, t, jnp.exp(t) - 1.0)


def _tc_pre_body(x_ref, parts_ref, w1_ref, b1_ref, g_ref, be_ref,
                 w2_ref, b2_ref, h_ref):
    z = x_ref[...] + parts_ref[0, :N, :] + parts_ref[1, :N, :]
    t = jnp.dot(z, w1_ref[...], preferred_element_type=jnp.float32) + b1_ref[...]
    mu = jnp.mean(t, axis=0, keepdims=True)
    var = jnp.mean((t - mu) * (t - mu), axis=0, keepdims=True)
    t = (t - mu) / jnp.sqrt(var + 1e-5) * g_ref[...] + be_ref[...]
    t = _elu(t)
    h = jnp.dot(t, w2_ref[...], preferred_element_type=jnp.float32) + b2_ref[...]
    h_ref[...] = _elu(h)


_tc_pre = pl.pallas_call(
    _tc_pre_body,
    out_shape=jax.ShapeDtypeStruct((N, F), jnp.float32),
)


def _tc_post_body(h_ref, parts_ref, batch_ref, wp1_ref, bp1_ref, wp2_ref,
                  bp2_ref, wm1_ref, bm1_ref, wm2_ref, bm2_ref, wm3_ref,
                  bm3_ref, o_ref):
    u = h_ref[...] + parts_ref[0, :N, :] + parts_ref[1, :N, :]
    a = _elu(jnp.dot(u, wp1_ref[...], preferred_element_type=jnp.float32)
             + bp1_ref[...])
    h2 = _elu(jnp.dot(a, wp2_ref[...], preferred_element_type=jnp.float32)
              + bp2_ref[...])
    gids = lax.broadcasted_iota(jnp.int32, (G, N), 0)
    onehot = (gids == batch_ref[...]).astype(jnp.float32)
    pooled = jnp.dot(onehot, h2, preferred_element_type=jnp.float32)
    o = _elu(jnp.dot(pooled, wm1_ref[...], preferred_element_type=jnp.float32)
             + bm1_ref[...])
    o = _elu(jnp.dot(o, wm2_ref[...], preferred_element_type=jnp.float32)
             + bm2_ref[...])
    o = jnp.dot(o, wm3_ref[...], preferred_element_type=jnp.float32) + bm3_ref[...]
    m = jnp.max(o, axis=-1, keepdims=True)
    lse = m + jnp.log(jnp.sum(jnp.exp(o - m), axis=-1, keepdims=True))
    o_ref[...] = o - lse


_tc_post = pl.pallas_call(
    _tc_post_body,
    out_shape=jax.ShapeDtypeStruct((G, OUT), jnp.float32),
)


def kernel(x, edge_index, batch, W_pre1, b_pre1, gamma_pre, beta_pre,
           W_pre2, b_pre2, W_post1, b_post1, W_post2, b_post2,
           Wm1, bm1, Wm2, bm2, Wm3, bm3):
    E = edge_index.shape[1]
    pad = EPAD - E
    src = jnp.concatenate([edge_index[0], jnp.zeros((pad,), jnp.int32)])
    dst = jnp.concatenate([edge_index[1], jnp.full((pad,), N, jnp.int32)])
    src3 = src.reshape(NW, CH, C)
    dst3 = dst.reshape(NW, CH, C)
    zeros_sub = jnp.zeros((SUB, F), jnp.float32)

    sc_segsum = _get_sc_segsum()
    parts1 = sc_segsum(x, src3, dst3, zeros_sub)
    h = _tc_pre(x, parts1, W_pre1, b_pre1.reshape(1, F),
                gamma_pre.reshape(1, F), beta_pre.reshape(1, F),
                W_pre2, b_pre2.reshape(1, F))
    parts2 = sc_segsum(h, src3, dst3, zeros_sub)
    logp = _tc_post(h, parts2, batch.reshape(1, N),
                    W_post1, b_post1.reshape(1, F),
                    W_post2, b_post2.reshape(1, F),
                    Wm1, bm1.reshape(1, F),
                    Wm2, bm2.reshape(1, F // 2),
                    Wm3, bm3.reshape(1, OUT))
    return (logp, jnp.float32(0.0))

# --- scband reference (transcript-rebuilt; emitter-appended) ---
"""Pipeline reference for scband-gin-pool-net-91285234909533 (READ-ONLY COPY).

The authoritative reference and input builder live on the scoring server;
editing this copy changes nothing except your own understanding.
"""

import jax, jax.numpy as jnp
import numpy as np

N = 10000
E = 320000
DIN = 128
H = 128
OUT = 10
G = 64


def setup_inputs(seed: int = 0) -> dict:
    key = jax.random.key(seed)
    ks = jax.random.split(key, 24)
    x = jax.random.normal(ks[0], (N, DIN), dtype=jnp.float32)
    edge_index = jax.random.randint(ks[1], (2, E), 0, N, dtype=jnp.int32)
    batch = jnp.sort(jax.random.randint(ks[2], (N,), 0, G, dtype=jnp.int32))

    def lin(k, fi, fo):
        return jax.random.normal(k, (fi, fo), dtype=jnp.float32) / jnp.sqrt(fi)

    inp = {
        'x': x,
        'edge_index': edge_index,
        'batch': batch,
        # pre GIN layer: MLP [DIN, H, H] with batch-norm after first linear
        'W_pre1': lin(ks[3], DIN, H), 'b_pre1': jnp.zeros((H,), jnp.float32),
        'gamma_pre': jnp.ones((H,), jnp.float32), 'beta_pre': jnp.zeros((H,), jnp.float32),
        'W_pre2': lin(ks[4], H, H), 'b_pre2': jnp.zeros((H,), jnp.float32),
        # post GIN layer: MLP [H, H, H] norm=None
        'W_post1': lin(ks[5], H, H), 'b_post1': jnp.zeros((H,), jnp.float32),
        'W_post2': lin(ks[6], H, H), 'b_post2': jnp.zeros((H,), jnp.float32),
        # readout MLP [H, H, H//2, OUT] norm=None, dropout inactive (eval)
        'Wm1': lin(ks[7], H, H), 'bm1': jnp.zeros((H,), jnp.float32),
        'Wm2': lin(ks[8], H, H // 2), 'bm2': jnp.zeros((H // 2,), jnp.float32),
        'Wm3': lin(ks[9], H // 2, OUT), 'bm3': jnp.zeros((OUT,), jnp.float32),
    }
    return inp


def reference(x, edge_index, batch, W_pre1, b_pre1, gamma_pre, beta_pre, W_pre2, b_pre2,
              W_post1, b_post1, W_post2, b_post2, Wm1, bm1, Wm2, bm2, Wm3, bm3):
    src = edge_index[0]
    dst = edge_index[1]
    # --- pre GINConv (eps=0): h = MLP(x + sum_{j in N(i)} x_j) ---
    agg = jax.ops.segment_sum(x[src], dst, num_segments=N)
    h = x + agg
    h = h @ W_pre1 + b_pre1
    mu = jnp.mean(h, axis=0)
    var = jnp.var(h, axis=0)
    h = (h - mu) / jnp.sqrt(var + 1e-5) * gamma_pre + beta_pre
    h = jax.nn.elu(h)
    h = h @ W_pre2 + b_pre2
    h = jax.nn.elu(h)  # outer activation in forward loop
    # --- post GINConv (eps=0, MLP without norm) ---
    agg2 = jax.ops.segment_sum(h[src], dst, num_segments=N)
    h2 = h + agg2
    h2 = jax.nn.elu(h2 @ W_post1 + b_post1)
    h2 = h2 @ W_post2 + b_post2
    h2 = jax.nn.elu(h2)  # outer activation
    # --- global add pool over graphs ---
    pooled = jax.ops.segment_sum(h2, batch, num_segments=G)
    # --- readout MLP (dropout is identity in eval) ---
    o = jax.nn.elu(pooled @ Wm1 + bm1)
    o = jax.nn.elu(o @ Wm2 + bm2)
    o = o @ Wm3 + bm3
    logp = jax.nn.log_softmax(o, axis=-1)
    aux_loss = jnp.float32(0.0)
    return (logp, aux_loss)

if __name__ == "__main__":
    import jax
    _d = setup_inputs()
    print(jax.jit(kernel)(*tuple(_d.values())))

</pallas_src>

<mosaic_0001>
#map = affine_map<(d0, d1) -> (0, 0)>
#map1 = affine_map<(d0, d1) -> (0, 0, 0)>
module attributes {stable_mosaic.version = 14 : i64} {
  func.func @_sc_segsum_body(%arg0: i32, %arg1: i32, %arg2: memref<10000x128xf32, #tpu.memory_space<hbm>>, %arg3: memref<32x80x128xi32, #tpu.memory_space<hbm>>, %arg4: memref<32x80x128xi32, #tpu.memory_space<hbm>>, %arg5: memref<632x128xf32, #tpu.memory_space<hbm>>, %arg6: memref<2x10112x128xf32, #tpu.memory_space<hbm>>, %arg7: memref<40x128xi32, #tpu.memory_space<vmem>>, %arg8: memref<40x128xi32, #tpu.memory_space<vmem>>, %arg9: memref<128x128xf32, #tpu.memory_space<vmem>>, %arg10: memref<128x128xf32, #tpu.memory_space<vmem>>, %arg11: memref<10112x128xf32, #tpu.memory_space<vmem_shared>>, %arg12: memref<!tpu.dma_semaphore, #tpu.memory_space<semaphore_mem>>, %arg13: memref<!tpu.dma_semaphore, #tpu.memory_space<semaphore_mem>>) attributes {dimension_semantics = [#tpu.dimension_semantics<core_parallel>, #tpu.dimension_semantics<subcore_parallel>], iteration_bounds = array<i64: 2, 16>, scalar_prefetch = 0 : i64, scratch_operands = 7 : i64, tpu.core_type = #tpu.core_type<sc_vector_subcore>, window_params = [{transform_indices = #map}, {transform_indices = #map1}, {transform_indices = #map1}, {transform_indices = #map}, {transform_indices = #map1}]} {
    %mul3A = arith.constant 2 : i32
    %mul3A_0 = arith.muli %arg1, %mul3A : i32
    %add3A = arith.addi %mul3A_0, %arg0 : i32
    %mul3A_1 = arith.constant 632 : i32
    %mul3A_2 = arith.muli %arg1, %mul3A_1 : i32
    "tpu.region"() ({
      %run_scoped3A = tpu.sem_alloc : memref<!tpu.dma_semaphore, #tpu.memory_space<semaphore_mem>>
      %dma_start3A = arith.constant 0 : i32
      %dma_start3A_13 = tpu.memref_slice %arg11[%mul3A_2, %dma_start3A] : memref<10112x128xf32, #tpu.memory_space<vmem_shared>> -> memref<632x128xf32, #tpu.memory_space<vmem_shared>>
      tpu.enqueue_dma source(%arg5 : memref<632x128xf32, #tpu.memory_space<hbm>>) target(%dma_start3A_13 : memref<632x128xf32, #tpu.memory_space<vmem_shared>>) target_semaphore(%run_scoped3A : memref<!tpu.dma_semaphore, #tpu.memory_space<semaphore_mem>>)
      %dma_wait3A = arith.constant 0 : i32
      %dma_wait3A_14 = tpu.memref_slice %arg11[%mul3A_2, %dma_wait3A] : memref<10112x128xf32, #tpu.memory_space<vmem_shared>> -> memref<632x128xf32, #tpu.memory_space<vmem_shared>>
      tpu.wait_dma2 semaphore(%run_scoped3A : memref<!tpu.dma_semaphore, #tpu.memory_space<semaphore_mem>>) src(%arg5 : memref<632x128xf32, #tpu.memory_space<hbm>>) dst(%dma_wait3A_14 : memref<632x128xf32, #tpu.memory_space<vmem_shared>>)
      tpu.yield
    }) : () -> ()
    %barrier3A = arith.constant 0 : index
    tpu.barrier barrier_id(%barrier3A)
    %scan3A = arith.constant 0 : i32
    %scan3A_3 = arith.constant 0 : i32
    %scan3A_4 = arith.constant 2 : i32
    %scan3A_5 = arith.addi %scan3A_3, %scan3A_4 : i32
    %scan3A_6 = arith.constant 1 : i32
    scf.for %scan3A_13 = %scan3A_3 to %scan3A_5 step %scan3A_6  : i32 {
      %mul3A_14 = arith.constant 40 : i32
      %mul3A_15 = arith.muli %scan3A_13, %mul3A_14 : i32
      "tpu.region"() ({
        %run_scoped3A = tpu.sem_alloc : memref<!tpu.dma_semaphore, #tpu.memory_space<semaphore_mem>>
        %dma_start3A_36 = arith.constant 0 : i32
        %dma_start3A_37 = tpu.memref_slice %arg3[%add3A, %mul3A_15, %dma_start3A_36] : memref<32x80x128xi32, #tpu.memory_space<hbm>> -> memref<1x40x128xi32, #tpu.memory_space<hbm>>
        %dma_start3A_38 = tpu.memref_squeeze %dma_start3A_37 : memref<1x40x128xi32, #tpu.memory_space<hbm>> -> memref<40x128xi32, #tpu.memory_space<hbm>>
        %dma_start3A_39 = arith.constant 0 : i32
        %dma_start3A_40 = tpu.memref_slice %arg3[%add3A, %mul3A_15, %dma_start3A_39] : memref<32x80x128xi32, #tpu.memory_space<hbm>> -> memref<1x40x128xi32, #tpu.memory_space<hbm>>
        %dma_start3A_41 = tpu.memref_squeeze %dma_start3A_40 : memref<1x40x128xi32, #tpu.memory_space<hbm>> -> memref<40x128xi32, #tpu.memory_space<hbm>>
        tpu.enqueue_dma source(%dma_start3A_41 : memref<40x128xi32, #tpu.memory_space<hbm>>) target(%arg7 : memref<40x128xi32, #tpu.memory_space<vmem>>) target_semaphore(%run_scoped3A : memref<!tpu.dma_semaphore, #tpu.memory_space<semaphore_mem>>)
        %dma_wait3A_42 = arith.constant 0 : i32
        %dma_wait3A_43 = tpu.memref_slice %arg3[%add3A, %mul3A_15, %dma_wait3A_42] : memref<32x80x128xi32, #tpu.memory_space<hbm>> -> memref<1x40x128xi32, #tpu.memory_space<hbm>>
        %dma_wait3A_44 = tpu.memref_squeeze %dma_wait3A_43 : memref<1x40x128xi32, #tpu.memory_space<hbm>> -> memref<40x128xi32, #tpu.memory_space<hbm>>
        %dma_wait3A_45 = arith.constant 0 : i32
        %dma_wait3A_46 = tpu.memref_slice %arg3[%add3A, %mul3A_15, %dma_wait3A_45] : memref<32x80x128xi32, #tpu.memory_space<hbm>> -> memref<1x40x128xi32, #tpu.memory_space<hbm>>
        %dma_wait3A_47 = tpu.memref_squeeze %dma_wait3A_46 : memref<1x40x128xi32, #tpu.memory_space<hbm>> -> memref<40x128xi32, #tpu.memory_space<hbm>>
        tpu.wait_dma2 semaphore(%run_scoped3A : memref<!tpu.dma_semaphore, #tpu.memory_space<semaphore_mem>>) src(%dma_wait3A_47 : memref<40x128xi32, #tpu.memory_space<hbm>>) dst(%arg7 : memref<40x128xi32, #tpu.memory_space<vmem>>)
        tpu.yield
      }) : () -> ()
      %mul3A_16 = arith.constant 40 : i32
      %mul3A_17 = arith.muli %scan3A_13, %mul3A_16 : i32
      "tpu.region"() ({
        %run_scoped3A = tpu.sem_alloc : memref<!tpu.dma_semaphore, #tpu.memory_space<semaphore_mem>>
        %dma_start3A_36 = arith.constant 0 : i32
        %dma_start3A_37 = tpu.memref_slice %arg4[%add3A, %mul3A_17, %dma_start3A_36] : memref<32x80x128xi32, #tpu.memory_space<hbm>> -> memref<1x40x128xi32, #tpu.memory_space<hbm>>
        %dma_start3A_38 = tpu.memref_squeeze %dma_start3A_37 : memref<1x40x128xi32, #tpu.memory_space<hbm>> -> memref<40x128xi32, #tpu.memory_space<hbm>>
        %dma_start3A_39 = arith.constant 0 : i32
        %dma_start3A_40 = tpu.memref_slice %arg4[%add3A, %mul3A_17, %dma_start3A_39] : memref<32x80x128xi32, #tpu.memory_space<hbm>> -> memref<1x40x128xi32, #tpu.memory_space<hbm>>
        %dma_start3A_41 = tpu.memref_squeeze %dma_start3A_40 : memref<1x40x128xi32, #tpu.memory_space<hbm>> -> memref<40x128xi32, #tpu.memory_space<hbm>>
        tpu.enqueue_dma source(%dma_start3A_41 : memref<40x128xi32, #tpu.memory_space<hbm>>) target(%arg8 : memref<40x128xi32, #tpu.memory_space<vmem>>) target_semaphore(%run_scoped3A : memref<!tpu.dma_semaphore, #tpu.memory_space<semaphore_mem>>)
        %dma_wait3A_42 = arith.constant 0 : i32
        %dma_wait3A_43 = tpu.memref_slice %arg4[%add3A, %mul3A_17, %dma_wait3A_42] : memref<32x80x128xi32, #tpu.memory_space<hbm>> -> memref<1x40x128xi32, #tpu.memory_space<hbm>>
        %dma_wait3A_44 = tpu.memref_squeeze %dma_wait3A_43 : memref<1x40x128xi32, #tpu.memory_space<hbm>> -> memref<40x128xi32, #tpu.memory_space<hbm>>
        %dma_wait3A_45 = arith.constant 0 : i32
        %dma_wait3A_46 = tpu.memref_slice %arg4[%add3A, %mul3A_17, %dma_wait3A_45] : memref<32x80x128xi32, #tpu.memory_space<hbm>> -> memref<1x40x128xi32, #tpu.memory_space<hbm>>
        %dma_wait3A_47 = tpu.memref_squeeze %dma_wait3A_46 : memref<1x40x128xi32, #tpu.memory_space<hbm>> -> memref<40x128xi32, #tpu.memory_space<hbm>>
        tpu.wait_dma2 semaphore(%run_scoped3A : memref<!tpu.dma_semaphore, #tpu.memory_space<semaphore_mem>>) src(%dma_wait3A_47 : memref<40x128xi32, #tpu.memory_space<hbm>>) dst(%arg8 : memref<40x128xi32, #tpu.memory_space<vmem>>)
        tpu.yield
      }) : () -> ()
      %dma_start3A = arith.constant 0 : i32
      %dma_start3A_18 = arith.constant 0 : i32
      %dma_start3A_19 = tpu.memref_slice %arg7[%dma_start3A, %dma_start3A_18] : memref<40x128xi32, #tpu.memory_space<vmem>> -> memref<1x128xi32, #tpu.memory_space<vmem>>
      %dma_start3A_20 = tpu.memref_squeeze %dma_start3A_19 : memref<1x128xi32, #tpu.memory_space<vmem>> -> memref<128xi32, #tpu.memory_space<vmem>>
      %dma_start3A_21 = arith.constant 0 : i32
      %dma_start3A_22 = arith.constant 0 : i32
      %dma_start3A_23 = tpu.memref_slice %arg2[%dma_start3A_21, %dma_start3A_22] : memref<10000x128xf32, #tpu.memory_space<hbm>> -> memref<10000x128xf32, #tpu.memory_space<hbm>>
      tpu.enqueue_indirect_dma source(%dma_start3A_23 : memref<10000x128xf32, #tpu.memory_space<hbm>>) target(%arg9 : memref<128x128xf32, #tpu.memory_space<vmem>>) offsets(%dma_start3A_20 : memref<128xi32, #tpu.memory_space<vmem>>) semaphore(%arg12 : memref<!tpu.dma_semaphore, #tpu.memory_space<semaphore_mem>>)
      %scan3A_24 = arith.constant 0 : i32
      %scan3A_25 = arith.constant 0 : i32
      %scan3A_26 = arith.constant 20 : i32
      %scan3A_27 = arith.addi %scan3A_25, %scan3A_26 : i32
      %scan3A_28 = arith.constant 1 : i32
      scf.for %scan3A_36 = %scan3A_25 to %scan3A_27 step %scan3A_28  : i32 {
        %mul3A_37 = arith.constant 2 : i32
        %mul3A_38 = arith.muli %mul3A_37, %scan3A_36 : i32
        %add3A_39 = arith.constant 1 : i32
        %add3A_40 = arith.addi %mul3A_38, %add3A_39 : i32
        %dma_start3A_41 = arith.constant 0 : i32
        %dma_start3A_42 = tpu.memref_slice %arg7[%add3A_40, %dma_start3A_41] : memref<40x128xi32, #tpu.memory_space<vmem>> -> memref<1x128xi32, #tpu.memory_space<vmem>>
        %dma_start3A_43 = tpu.memref_squeeze %dma_start3A_42 : memref<1x128xi32, #tpu.memory_space<vmem>> -> memref<128xi32, #tpu.memory_space<vmem>>
        %dma_start3A_44 = arith.constant 0 : i32
        %dma_start3A_45 = arith.constant 0 : i32
        %dma_start3A_46 = tpu.memref_slice %arg2[%dma_start3A_44, %dma_start3A_45] : memref<10000x128xf32, #tpu.memory_space<hbm>> -> memref<10000x128xf32, #tpu.memory_space<hbm>>
        tpu.enqueue_indirect_dma source(%dma_start3A_46 : memref<10000x128xf32, #tpu.memory_space<hbm>>) target(%arg10 : memref<128x128xf32, #tpu.memory_space<vmem>>) offsets(%dma_start3A_43 : memref<128xi32, #tpu.memory_space<vmem>>) semaphore(%arg13 : memref<!tpu.dma_semaphore, #tpu.memory_space<semaphore_mem>>)
        %dma_wait3A_47 = arith.constant 0 : i32
        %dma_wait3A_48 = arith.constant 0 : i32
        %dma_wait3A_49 = tpu.memref_slice %arg7[%dma_wait3A_47, %dma_wait3A_48] : memref<40x128xi32, #tpu.memory_space<vmem>> -> memref<1x128xi32, #tpu.memory_space<vmem>>
        %dma_wait3A_50 = tpu.memref_squeeze %dma_wait3A_49 : memref<1x128xi32, #tpu.memory_space<vmem>> -> memref<128xi32, #tpu.memory_space<vmem>>
        %dma_wait3A_51 = arith.constant 0 : i32
        %dma_wait3A_52 = arith.constant 0 : i32
        %dma_wait3A_53 = tpu.memref_slice %arg2[%dma_wait3A_51, %dma_wait3A_52] : memref<10000x128xf32, #tpu.memory_space<hbm>> -> memref<10000x128xf32, #tpu.memory_space<hbm>>
        tpu.wait_indirect_dma semaphore(%arg12 : memref<!tpu.dma_semaphore, #tpu.memory_space<semaphore_mem>>) src(%dma_wait3A_53 : memref<10000x128xf32, #tpu.memory_space<hbm>>) dst(%arg9 : memref<128x128xf32, #tpu.memory_space<vmem>>)
        "tpu.region"() ({
          %run_scoped3A = tpu.sem_alloc : memref<!tpu.dma_semaphore, #tpu.memory_space<semaphore_mem>>
          %dma_start3A_72 = arith.constant 0 : i32
          %dma_start3A_73 = tpu.memref_slice %arg8[%mul3A_38, %dma_start3A_72] : memref<40x128xi32, #tpu.memory_space<vmem>> -> memref<1x128xi32, #tpu.memory_space<vmem>>
          %dma_start3A_74 = tpu.memref_squeeze %dma_start3A_73 : memref<1x128xi32, #tpu.memory_space<vmem>> -> memref<128xi32, #tpu.memory_space<vmem>>
          %dma_start3A_75 = arith.constant 0 : i32
          %dma_start3A_76 = arith.constant 0 : i32
          %dma_start3A_77 = tpu.memref_slice %arg11[%dma_start3A_75, %dma_start3A_76] : memref<10112x128xf32, #tpu.memory_space<vmem_shared>> -> memref<10112x128xf32, #tpu.memory_space<vmem_shared>>
          tpu.enqueue_indirect_dma source(%arg9 : memref<128x128xf32, #tpu.memory_space<vmem>>) target(%dma_start3A_77 : memref<10112x128xf32, #tpu.memory_space<vmem_shared>>) offsets(%dma_start3A_74 : memref<128xi32, #tpu.memory_space<vmem>>) semaphore(%run_scoped3A : memref<!tpu.dma_semaphore, #tpu.memory_space<semaphore_mem>>) {add = true}
          %dma_wait3A_78 = arith.constant 0 : i32
          %dma_wait3A_79 = tpu.memref_slice %arg8[%mul3A_38, %dma_wait3A_78] : memref<40x128xi32, #tpu.memory_space<vmem>> -> memref<1x128xi32, #tpu.memory_space<vmem>>
          %dma_wait3A_80 = tpu.memref_squeeze %dma_wait3A_79 : memref<1x128xi32, #tpu.memory_space<vmem>> -> memref<128xi32, #tpu.memory_space<vmem>>
          %dma_wait3A_81 = arith.constant 0 : i32
          %dma_wait3A_82 = arith.constant 0 : i32
          %dma_wait3A_83 = tpu.memref_slice %arg11[%dma_wait3A_81, %dma_wait3A_82] : memref<10112x128xf32, #tpu.memory_space<vmem_shared>> -> memref<10112x128xf32, #tpu.memory_space<vmem_shared>>
          tpu.wait_indirect_dma semaphore(%run_scoped3A : memref<!tpu.dma_semaphore, #tpu.memory_space<semaphore_mem>>) src(%arg9 : memref<128x128xf32, #tpu.memory_space<vmem>>) dst(%dma_wait3A_83 : memref<10112x128xf32, #tpu.memory_space<vmem_shared>>)
          tpu.yield
        }) : () -> ()
        %add3A_54 = arith.constant 2 : i32
        %add3A_55 = arith.addi %mul3A_38, %add3A_54 : i32
        %rem3A = arith.constant 40 : i32
        %rem3A_56 = arith.remsi %add3A_55, %rem3A : i32
        %dma_start3A_57 = arith.constant 0 : i32
        %dma_start3A_58 = tpu.memref_slice %arg7[%rem3A_56, %dma_start3A_57] : memref<40x128xi32, #tpu.memory_space<vmem>> -> memref<1x128xi32, #tpu.memory_space<vmem>>
        %dma_start3A_59 = tpu.memref_squeeze %dma_start3A_58 : memref<1x128xi32, #tpu.memory_space<vmem>> -> memref<128xi32, #tpu.memory_space<vmem>>
        %dma_start3A_60 = arith.constant 0 : i32
        %dma_start3A_61 = arith.constant 0 : i32
        %dma_start3A_62 = tpu.memref_slice %arg2[%dma_start3A_60, %dma_start3A_61] : memref<10000x128xf32, #tpu.memory_space<hbm>> -> memref<10000x128xf32, #tpu.memory_space<hbm>>
        tpu.enqueue_indirect_dma source(%dma_start3A_62 : memref<10000x128xf32, #tpu.memory_space<hbm>>) target(%arg9 : memref<128x128xf32, #tpu.memory_space<vmem>>) offsets(%dma_start3A_59 : memref<128xi32, #tpu.memory_space<vmem>>) semaphore(%arg12 : memref<!tpu.dma_semaphore, #tpu.memory_space<semaphore_mem>>)
        %dma_wait3A_63 = arith.constant 0 : i32
        %dma_wait3A_64 = arith.constant 0 : i32
        %dma_wait3A_65 = tpu.memref_slice %arg7[%dma_wait3A_63, %dma_wait3A_64] : memref<40x128xi32, #tpu.memory_space<vmem>> -> memref<1x128xi32, #tpu.memory_space<vmem>>
        %dma_wait3A_66 = tpu.memref_squeeze %dma_wait3A_65 : memref<1x128xi32, #tpu.memory_space<vmem>> -> memref<128xi32, #tpu.memory_space<vmem>>
        %dma_wait3A_67 = arith.constant 0 : i32
        %dma_wait3A_68 = arith.constant 0 : i32
        %dma_wait3A_69 = tpu.memref_slice %arg2[%dma_wait3A_67, %dma_wait3A_68] : memref<10000x128xf32, #tpu.memory_space<hbm>> -> memref<10000x128xf32, #tpu.memory_space<hbm>>
        tpu.wait_indirect_dma semaphore(%arg13 : memref<!tpu.dma_semaphore, #tpu.memory_space<semaphore_mem>>) src(%dma_wait3A_69 : memref<10000x128xf32, #tpu.memory_space<hbm>>) dst(%arg10 : memref<128x128xf32, #tpu.memory_space<vmem>>)
        %add3A_70 = arith.constant 1 : i32
        %add3A_71 = arith.addi %mul3A_38, %add3A_70 : i32
        "tpu.region"() ({
          %run_scoped3A = tpu.sem_alloc : memref<!tpu.dma_semaphore, #tpu.memory_space<semaphore_mem>>
          %dma_start3A_72 = arith.constant 0 : i32
          %dma_start3A_73 = tpu.memref_slice %arg8[%add3A_71, %dma_start3A_72] : memref<40x128xi32, #tpu.memory_space<vmem>> -> memref<1x128xi32, #tpu.memory_space<vmem>>
          %dma_start3A_74 = tpu.memref_squeeze %dma_start3A_73 : memref<1x128xi32, #tpu.memory_space<vmem>> -> memref<128xi32, #tpu.memory_space<vmem>>
          %dma_start3A_75 = arith.constant 0 : i32
          %dma_start3A_76 = arith.constant 0 : i32
          %dma_start3A_77 = tpu.memref_slice %arg11[%dma_start3A_75, %dma_start3A_76] : memref<10112x128xf32, #tpu.memory_space<vmem_shared>> -> memref<10112x128xf32, #tpu.memory_space<vmem_shared>>
          tpu.enqueue_indirect_dma source(%arg10 : memref<128x128xf32, #tpu.memory_space<vmem>>) target(%dma_start3A_77 : memref<10112x128xf32, #tpu.memory_space<vmem_shared>>) offsets(%dma_start3A_74 : memref<128xi32, #tpu.memory_space<vmem>>) semaphore(%run_scoped3A : memref<!tpu.dma_semaphore, #tpu.memory_space<semaphore_mem>>) {add = true}
          %dma_wait3A_78 = arith.constant 0 : i32
          %dma_wait3A_79 = tpu.memref_slice %arg8[%add3A_71, %dma_wait3A_78] : memref<40x128xi32, #tpu.memory_space<vmem>> -> memref<1x128xi32, #tpu.memory_space<vmem>>
          %dma_wait3A_80 = tpu.memref_squeeze %dma_wait3A_79 : memref<1x128xi32, #tpu.memory_space<vmem>> -> memref<128xi32, #tpu.memory_space<vmem>>
          %dma_wait3A_81 = arith.constant 0 : i32
          %dma_wait3A_82 = arith.constant 0 : i32
          %dma_wait3A_83 = tpu.memref_slice %arg11[%dma_wait3A_81, %dma_wait3A_82] : memref<10112x128xf32, #tpu.memory_space<vmem_shared>> -> memref<10112x128xf32, #tpu.memory_space<vmem_shared>>
          tpu.wait_indirect_dma semaphore(%run_scoped3A : memref<!tpu.dma_semaphore, #tpu.memory_space<semaphore_mem>>) src(%arg10 : memref<128x128xf32, #tpu.memory_space<vmem>>) dst(%dma_wait3A_83 : memref<10112x128xf32, #tpu.memory_space<vmem_shared>>)
          tpu.yield
        }) : () -> ()
      }
      %scan3A_29 = arith.constant 20 : i32
      %dma_wait3A = arith.constant 0 : i32
      %dma_wait3A_30 = arith.constant 0 : i32
      %dma_wait3A_31 = tpu.memref_slice %arg7[%dma_wait3A, %dma_wait3A_30] : memref<40x128xi32, #tpu.memory_space<vmem>> -> memref<1x128xi32, #tpu.memory_space<vmem>>
      %dma_wait3A_32 = tpu.memref_squeeze %dma_wait3A_31 : memref<1x128xi32, #tpu.memory_space<vmem>> -> memref<128xi32, #tpu.memory_space<vmem>>
      %dma_wait3A_33 = arith.constant 0 : i32
      %dma_wait3A_34 = arith.constant 0 : i32
      %dma_wait3A_35 = tpu.memref_slice %arg2[%dma_wait3A_33, %dma_wait3A_34] : memref<10000x128xf32, #tpu.memory_space<hbm>> -> memref<10000x128xf32, #tpu.memory_space<hbm>>
      tpu.wait_indirect_dma semaphore(%arg12 : memref<!tpu.dma_semaphore, #tpu.memory_space<semaphore_mem>>) src(%dma_wait3A_35 : memref<10000x128xf32, #tpu.memory_space<hbm>>) dst(%arg9 : memref<128x128xf32, #tpu.memory_space<vmem>>)
    }
    %scan3A_7 = arith.constant 2 : i32
    %barrier3A_8 = arith.constant 0 : index
    tpu.barrier barrier_id(%barrier3A_8)
    %mul3A_9 = arith.constant 632 : i32
    %mul3A_10 = arith.muli %arg1, %mul3A_9 : i32
    %mul3A_11 = arith.constant 632 : i32
    %mul3A_12 = arith.muli %arg1, %mul3A_11 : i32
    "tpu.region"() ({
      %run_scoped3A = tpu.sem_alloc : memref<!tpu.dma_semaphore, #tpu.memory_space<semaphore_mem>>
      %dma_start3A = arith.constant 0 : i32
      %dma_start3A_13 = tpu.memref_slice %arg6[%arg0, %mul3A_12, %dma_start3A] : memref<2x10112x128xf32, #tpu.memory_space<hbm>> -> memref<1x632x128xf32, #tpu.memory_space<hbm>>
      %dma_start3A_14 = tpu.memref_squeeze %dma_start3A_13 : memref<1x632x128xf32, #tpu.memory_space<hbm>> -> memref<632x128xf32, #tpu.memory_space<hbm>>
      %dma_start3A_15 = arith.constant 0 : i32
      %dma_start3A_16 = tpu.memref_slice %arg11[%mul3A_10, %dma_start3A_15] : memref<10112x128xf32, #tpu.memory_space<vmem_shared>> -> memref<632x128xf32, #tpu.memory_space<vmem_shared>>
      tpu.enqueue_dma source(%dma_start3A_16 : memref<632x128xf32, #tpu.memory_space<vmem_shared>>) target(%dma_start3A_14 : memref<632x128xf32, #tpu.memory_space<hbm>>) target_semaphore(%run_scoped3A : memref<!tpu.dma_semaphore, #tpu.memory_space<semaphore_mem>>)
      %dma_wait3A = arith.constant 0 : i32
      %dma_wait3A_17 = tpu.memref_slice %arg6[%arg0, %mul3A_12, %dma_wait3A] : memref<2x10112x128xf32, #tpu.memory_space<hbm>> -> memref<1x632x128xf32, #tpu.memory_space<hbm>>
      %dma_wait3A_18 = tpu.memref_squeeze %dma_wait3A_17 : memref<1x632x128xf32, #tpu.memory_space<hbm>> -> memref<632x128xf32, #tpu.memory_space<hbm>>
      %dma_wait3A_19 = arith.constant 0 : i32
      %dma_wait3A_20 = tpu.memref_slice %arg11[%mul3A_10, %dma_wait3A_19] : memref<10112x128xf32, #tpu.memory_space<vmem_shared>> -> memref<632x128xf32, #tpu.memory_space<vmem_shared>>
      tpu.wait_dma2 semaphore(%run_scoped3A : memref<!tpu.dma_semaphore, #tpu.memory_space<semaphore_mem>>) src(%dma_wait3A_20 : memref<632x128xf32, #tpu.memory_space<vmem_shared>>) dst(%dma_wait3A_18 : memref<632x128xf32, #tpu.memory_space<hbm>>)
      tpu.yield
    }) : () -> ()
    return
  }
}

#map = affine_map<(d0, d1) -> (0, 0)>
#map1 = affine_map<(d0, d1) -> (0, 0, 0)>
module attributes {stable_mosaic.version = 14 : i64} {
  func.func @_sc_segsum_body(%arg0: i32, %arg1: i32, %arg2: memref<10000x128xf32, #tpu.memory_space<hbm>>, %arg3: memref<32x80x128xi32, #tpu.memory_space<hbm>>, %arg4: memref<32x80x128xi32, #tpu.memory_space<hbm>>, %arg5: memref<632x128xf32, #tpu.memory_space<hbm>>, %arg6: memref<2x10112x128xf32, #tpu.memory_space<hbm>>, %arg7: memref<40x128xi32, #tpu.memory_space<vmem>>, %arg8: memref<40x128xi32, #tpu.memory_space<vmem>>, %arg9: memref<128x128xf32, #tpu.memory_space<vmem>>, %arg10: memref<128x128xf32, #tpu.memory_space<vmem>>, %arg11: memref<10112x128xf32, #tpu.memory_space<vmem_shared>>, %arg12: memref<!tpu.dma_semaphore, #tpu.memory_space<semaphore_mem>>, %arg13: memref<!tpu.dma_semaphore, #tpu.memory_space<semaphore_mem>>) attributes {dimension_semantics = [#tpu.dimension_semantics<core_parallel>, #tpu.dimension_semantics<subcore_parallel>], iteration_bounds = array<i64: 2, 16>, scalar_prefetch = 0 : i64, scratch_operands = 7 : i64, tpu.core_type = #tpu.core_type<sc_vector_subcore>, window_params = [{transform_indices = #map}, {transform_indices = #map1}, {transform_indices = #map1}, {transform_indices = #map}, {transform_indices = #map1}]} {
    %mul3A = arith.constant 2 : i32
    %mul3A_0 = arith.muli %arg1, %mul3A : i32
    %add3A = arith.addi %mul3A_0, %arg0 : i32
    %mul3A_1 = arith.constant 632 : i32
    %mul3A_2 = arith.muli %arg1, %mul3A_1 : i32
    "tpu.region"() ({
      %run_scoped3A = tpu.sem_alloc : memref<!tpu.dma_semaphore, #tpu.memory_space<semaphore_mem>>
      %dma_start3A = arith.constant 0 : i32
      %dma_start3A_13 = tpu.memref_slice %arg11[%mul3A_2, %dma_start3A] : memref<10112x128xf32, #tpu.memory_space<vmem_shared>> -> memref<632x128xf32, #tpu.memory_space<vmem_shared>>
      tpu.enqueue_dma source(%arg5 : memref<632x128xf32, #tpu.memory_space<hbm>>) target(%dma_start3A_13 : memref<632x128xf32, #tpu.memory_space<vmem_shared>>) target_semaphore(%run_scoped3A : memref<!tpu.dma_semaphore, #tpu.memory_space<semaphore_mem>>)
      %dma_wait3A = arith.constant 0 : i32
      %dma_wait3A_14 = tpu.memref_slice %arg11[%mul3A_2, %dma_wait3A] : memref<10112x128xf32, #tpu.memory_space<vmem_shared>> -> memref<632x128xf32, #tpu.memory_space<vmem_shared>>
      tpu.wait_dma2 semaphore(%run_scoped3A : memref<!tpu.dma_semaphore, #tpu.memory_space<semaphore_mem>>) src(%arg5 : memref<632x128xf32, #tpu.memory_space<hbm>>) dst(%dma_wait3A_14 : memref<632x128xf32, #tpu.memory_space<vmem_shared>>)
      tpu.yield
    }) : () -> ()
    %barrier3A = arith.constant 0 : index
    tpu.barrier barrier_id(%barrier3A)
    %scan3A = arith.constant 0 : i32
    %scan3A_3 = arith.constant 0 : i32
    %scan3A_4 = arith.constant 2 : i32
    %scan3A_5 = arith.addi %scan3A_3, %scan3A_4 : i32
    %scan3A_6 = arith.constant 1 : i32
    scf.for %scan3A_13 = %scan3A_3 to %scan3A_5 step %scan3A_6  : i32 {
      %mul3A_14 = arith.constant 40 : i32
      %mul3A_15 = arith.muli %scan3A_13, %mul3A_14 : i32
      "tpu.region"() ({
        %run_scoped3A = tpu.sem_alloc : memref<!tpu.dma_semaphore, #tpu.memory_space<semaphore_mem>>
        %dma_start3A_36 = arith.constant 0 : i32
        %dma_start3A_37 = tpu.memref_slice %arg3[%add3A, %mul3A_15, %dma_start3A_36] : memref<32x80x128xi32, #tpu.memory_space<hbm>> -> memref<1x40x128xi32, #tpu.memory_space<hbm>>
        %dma_start3A_38 = tpu.memref_squeeze %dma_start3A_37 : memref<1x40x128xi32, #tpu.memory_space<hbm>> -> memref<40x128xi32, #tpu.memory_space<hbm>>
        %dma_start3A_39 = arith.constant 0 : i32
        %dma_start3A_40 = tpu.memref_slice %arg3[%add3A, %mul3A_15, %dma_start3A_39] : memref<32x80x128xi32, #tpu.memory_space<hbm>> -> memref<1x40x128xi32, #tpu.memory_space<hbm>>
        %dma_start3A_41 = tpu.memref_squeeze %dma_start3A_40 : memref<1x40x128xi32, #tpu.memory_space<hbm>> -> memref<40x128xi32, #tpu.memory_space<hbm>>
        tpu.enqueue_dma source(%dma_start3A_41 : memref<40x128xi32, #tpu.memory_space<hbm>>) target(%arg7 : memref<40x128xi32, #tpu.memory_space<vmem>>) target_semaphore(%run_scoped3A : memref<!tpu.dma_semaphore, #tpu.memory_space<semaphore_mem>>)
        %dma_wait3A_42 = arith.constant 0 : i32
        %dma_wait3A_43 = tpu.memref_slice %arg3[%add3A, %mul3A_15, %dma_wait3A_42] : memref<32x80x128xi32, #tpu.memory_space<hbm>> -> memref<1x40x128xi32, #tpu.memory_space<hbm>>
        %dma_wait3A_44 = tpu.memref_squeeze %dma_wait3A_43 : memref<1x40x128xi32, #tpu.memory_space<hbm>> -> memref<40x128xi32, #tpu.memory_space<hbm>>
        %dma_wait3A_45 = arith.constant 0 : i32
        %dma_wait3A_46 = tpu.memref_slice %arg3[%add3A, %mul3A_15, %dma_wait3A_45] : memref<32x80x128xi32, #tpu.memory_space<hbm>> -> memref<1x40x128xi32, #tpu.memory_space<hbm>>
        %dma_wait3A_47 = tpu.memref_squeeze %dma_wait3A_46 : memref<1x40x128xi32, #tpu.memory_space<hbm>> -> memref<40x128xi32, #tpu.memory_space<hbm>>
        tpu.wait_dma2 semaphore(%run_scoped3A : memref<!tpu.dma_semaphore, #tpu.memory_space<semaphore_mem>>) src(%dma_wait3A_47 : memref<40x128xi32, #tpu.memory_space<hbm>>) dst(%arg7 : memref<40x128xi32, #tpu.memory_space<vmem>>)
        tpu.yield
      }) : () -> ()
      %mul3A_16 = arith.constant 40 : i32
      %mul3A_17 = arith.muli %scan3A_13, %mul3A_16 : i32
      "tpu.region"() ({
        %run_scoped3A = tpu.sem_alloc : memref<!tpu.dma_semaphore, #tpu.memory_space<semaphore_mem>>
        %dma_start3A_36 = arith.constant 0 : i32
        %dma_start3A_37 = tpu.memref_slice %arg4[%add3A, %mul3A_17, %dma_start3A_36] : memref<32x80x128xi32, #tpu.memory_space<hbm>> -> memref<1x40x128xi32, #tpu.memory_space<hbm>>
        %dma_start3A_38 = tpu.memref_squeeze %dma_start3A_37 : memref<1x40x128xi32, #tpu.memory_space<hbm>> -> memref<40x128xi32, #tpu.memory_space<hbm>>
        %dma_start3A_39 = arith.constant 0 : i32
        %dma_start3A_40 = tpu.memref_slice %arg4[%add3A, %mul3A_17, %dma_start3A_39] : memref<32x80x128xi32, #tpu.memory_space<hbm>> -> memref<1x40x128xi32, #tpu.memory_space<hbm>>
        %dma_start3A_41 = tpu.memref_squeeze %dma_start3A_40 : memref<1x40x128xi32, #tpu.memory_space<hbm>> -> memref<40x128xi32, #tpu.memory_space<hbm>>
        tpu.enqueue_dma source(%dma_start3A_41 : memref<40x128xi32, #tpu.memory_space<hbm>>) target(%arg8 : memref<40x128xi32, #tpu.memory_space<vmem>>) target_semaphore(%run_scoped3A : memref<!tpu.dma_semaphore, #tpu.memory_space<semaphore_mem>>)
        %dma_wait3A_42 = arith.constant 0 : i32
        %dma_wait3A_43 = tpu.memref_slice %arg4[%add3A, %mul3A_17, %dma_wait3A_42] : memref<32x80x128xi32, #tpu.memory_space<hbm>> -> memref<1x40x128xi32, #tpu.memory_space<hbm>>
        %dma_wait3A_44 = tpu.memref_squeeze %dma_wait3A_43 : memref<1x40x128xi32, #tpu.memory_space<hbm>> -> memref<40x128xi32, #tpu.memory_space<hbm>>
        %dma_wait3A_45 = arith.constant 0 : i32
        %dma_wait3A_46 = tpu.memref_slice %arg4[%add3A, %mul3A_17, %dma_wait3A_45] : memref<32x80x128xi32, #tpu.memory_space<hbm>> -> memref<1x40x128xi32, #tpu.memory_space<hbm>>
        %dma_wait3A_47 = tpu.memref_squeeze %dma_wait3A_46 : memref<1x40x128xi32, #tpu.memory_space<hbm>> -> memref<40x128xi32, #tpu.memory_space<hbm>>
        tpu.wait_dma2 semaphore(%run_scoped3A : memref<!tpu.dma_semaphore, #tpu.memory_space<semaphore_mem>>) src(%dma_wait3A_47 : memref<40x128xi32, #tpu.memory_space<hbm>>) dst(%arg8 : memref<40x128xi32, #tpu.memory_space<vmem>>)
        tpu.yield
      }) : () -> ()
      %dma_start3A = arith.constant 0 : i32
      %dma_start3A_18 = arith.constant 0 : i32
      %dma_start3A_19 = tpu.memref_slice %arg7[%dma_start3A, %dma_start3A_18] : memref<40x128xi32, #tpu.memory_space<vmem>> -> memref<1x128xi32, #tpu.memory_space<vmem>>
      %dma_start3A_20 = tpu.memref_squeeze %dma_start3A_19 : memref<1x128xi32, #tpu.memory_space<vmem>> -> memref<128xi32, #tpu.memory_space<vmem>>
      %dma_start3A_21 = arith.constant 0 : i32
      %dma_start3A_22 = arith.constant 0 : i32
      %dma_start3A_23 = tpu.memref_slice %arg2[%dma_start3A_21, %dma_start3A_22] : memref<10000x128xf32, #tpu.memory_space<hbm>> -> memref<10000x128xf32, #tpu.memory_space<hbm>>
      tpu.enqueue_indirect_dma source(%dma_start3A_23 : memref<10000x128xf32, #tpu.memory_space<hbm>>) target(%arg9 : memref<128x128xf32, #tpu.memory_space<vmem>>) offsets(%dma_start3A_20 : memref<128xi32, #tpu.memory_space<vmem>>) semaphore(%arg12 : memref<!tpu.dma_semaphore, #tpu.memory_space<semaphore_mem>>)
      %scan3A_24 = arith.constant 0 : i32
      %scan3A_25 = arith.constant 0 : i32
      %scan3A_26 = arith.constant 20 : i32
      %scan3A_27 = arith.addi %scan3A_25, %scan3A_26 : i32
      %scan3A_28 = arith.constant 1 : i32
      scf.for %scan3A_36 = %scan3A_25 to %scan3A_27 step %scan3A_28  : i32 {
        %mul3A_37 = arith.constant 2 : i32
        %mul3A_38 = arith.muli %mul3A_37, %scan3A_36 : i32
        %add3A_39 = arith.constant 1 : i32
        %add3A_40 = arith.addi %mul3A_38, %add3A_39 : i32
        %dma_start3A_41 = arith.constant 0 : i32
        %dma_start3A_42 = tpu.memref_slice %arg7[%add3A_40, %dma_start3A_41] : memref<40x128xi32, #tpu.memory_space<vmem>> -> memref<1x128xi32, #tpu.memory_space<vmem>>
        %dma_start3A_43 = tpu.memref_squeeze %dma_start3A_42 : memref<1x128xi32, #tpu.memory_space<vmem>> -> memref<128xi32, #tpu.memory_space<vmem>>
        %dma_start3A_44 = arith.constant 0 : i32
        %dma_start3A_45 = arith.constant 0 : i32
        %dma_start3A_46 = tpu.memref_slice %arg2[%dma_start3A_44, %dma_start3A_45] : memref<10000x128xf32, #tpu.memory_space<hbm>> -> memref<10000x128xf32, #tpu.memory_space<hbm>>
        tpu.enqueue_indirect_dma source(%dma_start3A_46 : memref<10000x128xf32, #tpu.memory_space<hbm>>) target(%arg10 : memref<128x128xf32, #tpu.memory_space<vmem>>) offsets(%dma_start3A_43 : memref<128xi32, #tpu.memory_space<vmem>>) semaphore(%arg13 : memref<!tpu.dma_semaphore, #tpu.memory_space<semaphore_mem>>)
        %dma_wait3A_47 = arith.constant 0 : i32
        %dma_wait3A_48 = arith.constant 0 : i32
        %dma_wait3A_49 = tpu.memref_slice %arg7[%dma_wait3A_47, %dma_wait3A_48] : memref<40x128xi32, #tpu.memory_space<vmem>> -> memref<1x128xi32, #tpu.memory_space<vmem>>
        %dma_wait3A_50 = tpu.memref_squeeze %dma_wait3A_49 : memref<1x128xi32, #tpu.memory_space<vmem>> -> memref<128xi32, #tpu.memory_space<vmem>>
        %dma_wait3A_51 = arith.constant 0 : i32
        %dma_wait3A_52 = arith.constant 0 : i32
        %dma_wait3A_53 = tpu.memref_slice %arg2[%dma_wait3A_51, %dma_wait3A_52] : memref<10000x128xf32, #tpu.memory_space<hbm>> -> memref<10000x128xf32, #tpu.memory_space<hbm>>
        tpu.wait_indirect_dma semaphore(%arg12 : memref<!tpu.dma_semaphore, #tpu.memory_space<semaphore_mem>>) src(%dma_wait3A_53 : memref<10000x128xf32, #tpu.memory_space<hbm>>) dst(%arg9 : memref<128x128xf32, #tpu.memory_space<vmem>>)
        "tpu.region"() ({
          %run_scoped3A = tpu.sem_alloc : memref<!tpu.dma_semaphore, #tpu.memory_space<semaphore_mem>>
          %dma_start3A_72 = arith.constant 0 : i32
          %dma_start3A_73 = tpu.memref_slice %arg8[%mul3A_38, %dma_start3A_72] : memref<40x128xi32, #tpu.memory_space<vmem>> -> memref<1x128xi32, #tpu.memory_space<vmem>>
          %dma_start3A_74 = tpu.memref_squeeze %dma_start3A_73 : memref<1x128xi32, #tpu.memory_space<vmem>> -> memref<128xi32, #tpu.memory_space<vmem>>
          %dma_start3A_75 = arith.constant 0 : i32
          %dma_start3A_76 = arith.constant 0 : i32
          %dma_start3A_77 = tpu.memref_slice %arg11[%dma_start3A_75, %dma_start3A_76] : memref<10112x128xf32, #tpu.memory_space<vmem_shared>> -> memref<10112x128xf32, #tpu.memory_space<vmem_shared>>
          tpu.enqueue_indirect_dma source(%arg9 : memref<128x128xf32, #tpu.memory_space<vmem>>) target(%dma_start3A_77 : memref<10112x128xf32, #tpu.memory_space<vmem_shared>>) offsets(%dma_start3A_74 : memref<128xi32, #tpu.memory_space<vmem>>) semaphore(%run_scoped3A : memref<!tpu.dma_semaphore, #tpu.memory_space<semaphore_mem>>) {add = true}
          %dma_wait3A_78 = arith.constant 0 : i32
          %dma_wait3A_79 = tpu.memref_slice %arg8[%mul3A_38, %dma_wait3A_78] : memref<40x128xi32, #tpu.memory_space<vmem>> -> memref<1x128xi32, #tpu.memory_space<vmem>>
          %dma_wait3A_80 = tpu.memref_squeeze %dma_wait3A_79 : memref<1x128xi32, #tpu.memory_space<vmem>> -> memref<128xi32, #tpu.memory_space<vmem>>
          %dma_wait3A_81 = arith.constant 0 : i32
          %dma_wait3A_82 = arith.constant 0 : i32
          %dma_wait3A_83 = tpu.memref_slice %arg11[%dma_wait3A_81, %dma_wait3A_82] : memref<10112x128xf32, #tpu.memory_space<vmem_shared>> -> memref<10112x128xf32, #tpu.memory_space<vmem_shared>>
          tpu.wait_indirect_dma semaphore(%run_scoped3A : memref<!tpu.dma_semaphore, #tpu.memory_space<semaphore_mem>>) src(%arg9 : memref<128x128xf32, #tpu.memory_space<vmem>>) dst(%dma_wait3A_83 : memref<10112x128xf32, #tpu.memory_space<vmem_shared>>)
          tpu.yield
        }) : () -> ()
        %add3A_54 = arith.constant 2 : i32
        %add3A_55 = arith.addi %mul3A_38, %add3A_54 : i32
        %rem3A = arith.constant 40 : i32
        %rem3A_56 = arith.remsi %add3A_55, %rem3A : i32
        %dma_start3A_57 = arith.constant 0 : i32
        %dma_start3A_58 = tpu.memref_slice %arg7[%rem3A_56, %dma_start3A_57] : memref<40x128xi32, #tpu.memory_space<vmem>> -> memref<1x128xi32, #tpu.memory_space<vmem>>
        %dma_start3A_59 = tpu.memref_squeeze %dma_start3A_58 : memref<1x128xi32, #tpu.memory_space<vmem>> -> memref<128xi32, #tpu.memory_space<vmem>>
        %dma_start3A_60 = arith.constant 0 : i32
        %dma_start3A_61 = arith.constant 0 : i32
        %dma_start3A_62 = tpu.memref_slice %arg2[%dma_start3A_60, %dma_start3A_61] : memref<10000x128xf32, #tpu.memory_space<hbm>> -> memref<10000x128xf32, #tpu.memory_space<hbm>>
        tpu.enqueue_indirect_dma source(%dma_start3A_62 : memref<10000x128xf32, #tpu.memory_space<hbm>>) target(%arg9 : memref<128x128xf32, #tpu.memory_space<vmem>>) offsets(%dma_start3A_59 : memref<128xi32, #tpu.memory_space<vmem>>) semaphore(%arg12 : memref<!tpu.dma_semaphore, #tpu.memory_space<semaphore_mem>>)
        %dma_wait3A_63 = arith.constant 0 : i32
        %dma_wait3A_64 = arith.constant 0 : i32
        %dma_wait3A_65 = tpu.memref_slice %arg7[%dma_wait3A_63, %dma_wait3A_64] : memref<40x128xi32, #tpu.memory_space<vmem>> -> memref<1x128xi32, #tpu.memory_space<vmem>>
        %dma_wait3A_66 = tpu.memref_squeeze %dma_wait3A_65 : memref<1x128xi32, #tpu.memory_space<vmem>> -> memref<128xi32, #tpu.memory_space<vmem>>
        %dma_wait3A_67 = arith.constant 0 : i32
        %dma_wait3A_68 = arith.constant 0 : i32
        %dma_wait3A_69 = tpu.memref_slice %arg2[%dma_wait3A_67, %dma_wait3A_68] : memref<10000x128xf32, #tpu.memory_space<hbm>> -> memref<10000x128xf32, #tpu.memory_space<hbm>>
        tpu.wait_indirect_dma semaphore(%arg13 : memref<!tpu.dma_semaphore, #tpu.memory_space<semaphore_mem>>) src(%dma_wait3A_69 : memref<10000x128xf32, #tpu.memory_space<hbm>>) dst(%arg10 : memref<128x128xf32, #tpu.memory_space<vmem>>)
        %add3A_70 = arith.constant 1 : i32
        %add3A_71 = arith.addi %mul3A_38, %add3A_70 : i32
        "tpu.region"() ({
          %run_scoped3A = tpu.sem_alloc : memref<!tpu.dma_semaphore, #tpu.memory_space<semaphore_mem>>
          %dma_start3A_72 = arith.constant 0 : i32
          %dma_start3A_73 = tpu.memref_slice %arg8[%add3A_71, %dma_start3A_72] : memref<40x128xi32, #tpu.memory_space<vmem>> -> memref<1x128xi32, #tpu.memory_space<vmem>>
          %dma_start3A_74 = tpu.memref_squeeze %dma_start3A_73 : memref<1x128xi32, #tpu.memory_space<vmem>> -> memref<128xi32, #tpu.memory_space<vmem>>
          %dma_start3A_75 = arith.constant 0 : i32
          %dma_start3A_76 = arith.constant 0 : i32
          %dma_start3A_77 = tpu.memref_slice %arg11[%dma_start3A_75, %dma_start3A_76] : memref<10112x128xf32, #tpu.memory_space<vmem_shared>> -> memref<10112x128xf32, #tpu.memory_space<vmem_shared>>
          tpu.enqueue_indirect_dma source(%arg10 : memref<128x128xf32, #tpu.memory_space<vmem>>) target(%dma_start3A_77 : memref<10112x128xf32, #tpu.memory_space<vmem_shared>>) offsets(%dma_start3A_74 : memref<128xi32, #tpu.memory_space<vmem>>) semaphore(%run_scoped3A : memref<!tpu.dma_semaphore, #tpu.memory_space<semaphore_mem>>) {add = true}
          %dma_wait3A_78 = arith.constant 0 : i32
          %dma_wait3A_79 = tpu.memref_slice %arg8[%add3A_71, %dma_wait3A_78] : memref<40x128xi32, #tpu.memory_space<vmem>> -> memref<1x128xi32, #tpu.memory_space<vmem>>
          %dma_wait3A_80 = tpu.memref_squeeze %dma_wait3A_79 : memref<1x128xi32, #tpu.memory_space<vmem>> -> memref<128xi32, #tpu.memory_space<vmem>>
          %dma_wait3A_81 = arith.constant 0 : i32
          %dma_wait3A_82 = arith.constant 0 : i32
          %dma_wait3A_83 = tpu.memref_slice %arg11[%dma_wait3A_81, %dma_wait3A_82] : memref<10112x128xf32, #tpu.memory_space<vmem_shared>> -> memref<10112x128xf32, #tpu.memory_space<vmem_shared>>
          tpu.wait_indirect_dma semaphore(%run_scoped3A : memref<!tpu.dma_semaphore, #tpu.memory_space<semaphore_mem>>) src(%arg10 : memref<128x128xf32, #tpu.memory_space<vmem>>) dst(%dma_wait3A_83 : memref<10112x128xf32, #tpu.memory_space<vmem_shared>>)
          tpu.yield
        }) : () -> ()
      }
      %scan3A_29 = arith.constant 20 : i32
      %dma_wait3A = arith.constant 0 : i32
      %dma_wait3A_30 = arith.constant 0 : i32
      %dma_wait3A_31 = tpu.memref_slice %arg7[%dma_wait3A, %dma_wait3A_30] : memref<40x128xi32, #tpu.memory_space<vmem>> -> memref<1x128xi32, #tpu.memory_space<vmem>>
      %dma_wait3A_32 = tpu.memref_squeeze %dma_wait3A_31 : memref<1x128xi32, #tpu.memory_space<vmem>> -> memref<128xi32, #tpu.memory_space<vmem>>
      %dma_wait3A_33 = arith.constant 0 : i32
      %dma_wait3A_34 = arith.constant 0 : i32
      %dma_wait3A_35 = tpu.memref_slice %arg2[%dma_wait3A_33, %dma_wait3A_34] : memref<10000x128xf32, #tpu.memory_space<hbm>> -> memref<10000x128xf32, #tpu.memory_space<hbm>>
      tpu.wait_indirect_dma semaphore(%arg12 : memref<!tpu.dma_semaphore, #tpu.memory_space<semaphore_mem>>) src(%dma_wait3A_35 : memref<10000x128xf32, #tpu.memory_space<hbm>>) dst(%arg9 : memref<128x128xf32, #tpu.memory_space<vmem>>)
    }
    %scan3A_7 = arith.constant 2 : i32
    %barrier3A_8 = arith.constant 0 : index
    tpu.barrier barrier_id(%barrier3A_8)
    %mul3A_9 = arith.constant 632 : i32
    %mul3A_10 = arith.muli %arg1, %mul3A_9 : i32
    %mul3A_11 = arith.constant 632 : i32
    %mul3A_12 = arith.muli %arg1, %mul3A_11 : i32
    "tpu.region"() ({
      %run_scoped3A = tpu.sem_alloc : memref<!tpu.dma_semaphore, #tpu.memory_space<semaphore_mem>>
      %dma_start3A = arith.constant 0 : i32
      %dma_start3A_13 = tpu.memref_slice %arg6[%arg0, %mul3A_12, %dma_start3A] : memref<2x10112x128xf32, #tpu.memory_space<hbm>> -> memref<1x632x128xf32, #tpu.memory_space<hbm>>
      %dma_start3A_14 = tpu.memref_squeeze %dma_start3A_13 : memref<1x632x128xf32, #tpu.memory_space<hbm>> -> memref<632x128xf32, #tpu.memory_space<hbm>>
      %dma_start3A_15 = arith.constant 0 : i32
      %dma_start3A_16 = tpu.memref_slice %arg11[%mul3A_10, %dma_start3A_15] : memref<10112x128xf32, #tpu.memory_space<vmem_shared>> -> memref<632x128xf32, #tpu.memory_space<vmem_shared>>
      tpu.enqueue_dma source(%dma_start3A_16 : memref<632x128xf32, #tpu.memory_space<vmem_shared>>) target(%dma_start3A_14 : memref<632x128xf32, #tpu.memory_space<hbm>>) target_semaphore(%run_scoped3A : memref<!tpu.dma_semaphore, #tpu.memory_space<semaphore_mem>>)
      %dma_wait3A = arith.constant 0 : i32
      %dma_wait3A_17 = tpu.memref_slice %arg6[%arg0, %mul3A_12, %dma_wait3A] : memref<2x10112x128xf32, #tpu.memory_space<hbm>> -> memref<1x632x128xf32, #tpu.memory_space<hbm>>
      %dma_wait3A_18 = tpu.memref_squeeze %dma_wait3A_17 : memref<1x632x128xf32, #tpu.memory_space<hbm>> -> memref<632x128xf32, #tpu.memory_space<hbm>>
      %dma_wait3A_19 = arith.constant 0 : i32
      %dma_wait3A_20 = tpu.memref_slice %arg11[%mul3A_10, %dma_wait3A_19] : memref<10112x128xf32, #tpu.memory_space<vmem_shared>> -> memref<632x128xf32, #tpu.memory_space<vmem_shared>>
      tpu.wait_dma2 semaphore(%run_scoped3A : memref<!tpu.dma_semaphore, #tpu.memory_space<semaphore_mem>>) src(%dma_wait3A_20 : memref<632x128xf32, #tpu.memory_space<vmem_shared>>) dst(%dma_wait3A_18 : memref<632x128xf32, #tpu.memory_space<hbm>>)
      tpu.yield
    }) : () -> ()
    return
  }
}

module attributes {stable_mosaic.version = 14 : i64} {
  func.func @_tc_pre_body(%arg0: memref<10000x128xf32, #tpu.memory_space<vmem>>, %arg1: memref<2x10112x128xf32, #tpu.memory_space<vmem>>, %arg2: memref<128x128xf32, #tpu.memory_space<vmem>>, %arg3: memref<1x128xf32, #tpu.memory_space<vmem>>, %arg4: memref<1x128xf32, #tpu.memory_space<vmem>>, %arg5: memref<1x128xf32, #tpu.memory_space<vmem>>, %arg6: memref<128x128xf32, #tpu.memory_space<vmem>>, %arg7: memref<1x128xf32, #tpu.memory_space<vmem>>, %arg8: memref<10000x128xf32, #tpu.memory_space<vmem>>) attributes {dimension_semantics = [], scalar_prefetch = 0 : i64, scratch_operands = 0 : i64, tpu.core_type = #tpu.core_type<tc>} {
    %get3A = arith.constant 0 : index
    %get3A_0 = arith.constant 0 : index
    %get3A_1 = vector.load %arg0[%get3A, %get3A_0] : memref<10000x128xf32, #tpu.memory_space<vmem>>, vector<10000x128xf32>
    %get3A_2 = arith.constant 0 : index
    %get3A_3 = arith.constant 0 : index
    %get3A_4 = arith.constant 0 : index
    %get3A_5 = vector.load %arg1[%get3A_2, %get3A_3, %get3A_4] : memref<2x10112x128xf32, #tpu.memory_space<vmem>>, vector<1x10000x128xf32>
    %get3A_6 = vector.shape_cast %get3A_5 : vector<1x10000x128xf32> to vector<10000x128xf32>
    %add3A = arith.addf %get3A_1, %get3A_6 : vector<10000x128xf32>
    %get3A_7 = arith.constant 1 : index
    %get3A_8 = arith.constant 0 : index
    %get3A_9 = arith.constant 0 : index
    %get3A_10 = vector.load %arg1[%get3A_7, %get3A_8, %get3A_9] : memref<2x10112x128xf32, #tpu.memory_space<vmem>>, vector<1x10000x128xf32>
    %get3A_11 = vector.shape_cast %get3A_10 : vector<1x10000x128xf32> to vector<10000x128xf32>
    %add3A_12 = arith.addf %add3A, %get3A_11 : vector<10000x128xf32>
    %get3A_13 = arith.constant 0 : index
    %get3A_14 = arith.constant 0 : index
    %get3A_15 = vector.load %arg2[%get3A_13, %get3A_14] : memref<128x128xf32, #tpu.memory_space<vmem>>, vector<128x128xf32>
    %dot_general3A = arith.constant dense<0.000000e+00> : vector<10000x128xf32>
    %dot_general3A_16 = tpu.matmul %add3A_12, %get3A_15, %dot_general3A {dimension_numbers = #tpu.dot_dimension_numbers<[1], [0], [0], [1], [0, 0, 1, 1], [], []>, transpose_lhs_hint = false} : vector<10000x128xf32>, vector<128x128xf32>, vector<10000x128xf32> -> vector<10000x128xf32>
    %get3A_17 = arith.constant 0 : index
    %get3A_18 = arith.constant 0 : index
    %get3A_19 = vector.load %arg3[%get3A_17, %get3A_18] : memref<1x128xf32, #tpu.memory_space<vmem>>, vector<1x128xf32>
    %add3A_20 = vector.broadcast %get3A_19 : vector<1x128xf32> to vector<10000x128xf32>
    %add3A_21 = arith.addf %dot_general3A_16, %add3A_20 : vector<10000x128xf32>
    %reduce_sum3A = arith.constant dense<0.000000e+00> : vector<128xf32>
    %reduce_sum3A_22 = vector.multi_reduction <add>, %add3A_21, %reduce_sum3A [0] : vector<10000x128xf32> to vector<128xf32>
    %broadcast_in_dim3A = vector.shape_cast %reduce_sum3A_22 : vector<128xf32> to vector<1x128xf32>
    %div3A = arith.constant 1.000000e+04 : f32
    %div3A_23 = vector.broadcast %div3A : f32 to vector<1x128xf32>
    %div3A_24 = arith.divf %broadcast_in_dim3A, %div3A_23 : vector<1x128xf32>
    %sub3A = vector.broadcast %div3A_24 : vector<1x128xf32> to vector<10000x128xf32>
    %sub3A_25 = arith.subf %add3A_21, %sub3A : vector<10000x128xf32>
    %sub3A_26 = vector.broadcast %div3A_24 : vector<1x128xf32> to vector<10000x128xf32>
    %sub3A_27 = arith.subf %add3A_21, %sub3A_26 : vector<10000x128xf32>
    %mul3A = arith.mulf %sub3A_25, %sub3A_27 : vector<10000x128xf32>
    %reduce_sum3A_28 = arith.constant dense<0.000000e+00> : vector<128xf32>
    %reduce_sum3A_29 = vector.multi_reduction <add>, %mul3A, %reduce_sum3A_28 [0] : vector<10000x128xf32> to vector<128xf32>
    %broadcast_in_dim3A_30 = vector.shape_cast %reduce_sum3A_29 : vector<128xf32> to vector<1x128xf32>
    %div3A_31 = arith.constant 1.000000e+04 : f32
    %div3A_32 = vector.broadcast %div3A_31 : f32 to vector<1x128xf32>
    %div3A_33 = arith.divf %broadcast_in_dim3A_30, %div3A_32 : vector<1x128xf32>
    %sub3A_34 = vector.broadcast %div3A_24 : vector<1x128xf32> to vector<10000x128xf32>
    %sub3A_35 = arith.subf %add3A_21, %sub3A_34 : vector<10000x128xf32>
    %add3A_36 = arith.constant 9.99999974E-6 : f32
    %add3A_37 = vector.broadcast %add3A_36 : f32 to vector<1x128xf32>
    %add3A_38 = arith.addf %div3A_33, %add3A_37 : vector<1x128xf32>
    %sqrt3A = math.sqrt %add3A_38 : vector<1x128xf32>
    %div3A_39 = vector.broadcast %sqrt3A : vector<1x128xf32> to vector<10000x128xf32>
    %div3A_40 = arith.divf %sub3A_35, %div3A_39 : vector<10000x128xf32>
    %get3A_41 = arith.constant 0 : index
    %get3A_42 = arith.constant 0 : index
    %get3A_43 = vector.load %arg4[%get3A_41, %get3A_42] : memref<1x128xf32, #tpu.memory_space<vmem>>, vector<1x128xf32>
    %mul3A_44 = vector.broadcast %get3A_43 : vector<1x128xf32> to vector<10000x128xf32>
    %mul3A_45 = arith.mulf %div3A_40, %mul3A_44 : vector<10000x128xf32>
    %get3A_46 = arith.constant 0 : index
    %get3A_47 = arith.constant 0 : index
    %get3A_48 = vector.load %arg5[%get3A_46, %get3A_47] : memref<1x128xf32, #tpu.memory_space<vmem>>, vector<1x128xf32>
    %add3A_49 = vector.broadcast %get3A_48 : vector<1x128xf32> to vector<10000x128xf32>
    %add3A_50 = arith.addf %mul3A_45, %add3A_49 : vector<10000x128xf32>
    %gt3A = arith.constant 0.000000e+00 : f32
    %gt3A_51 = vector.broadcast %gt3A : f32 to vector<10000x128xf32>
    %gt3A_52 = arith.cmpf ogt, %add3A_50, %gt3A_51 : vector<10000x128xf32>
    %exp3A = math.exp %add3A_50 : vector<10000x128xf32>
    %sub3A_53 = arith.constant 1.000000e+00 : f32
    %sub3A_54 = vector.broadcast %sub3A_53 : f32 to vector<10000x128xf32>
    %sub3A_55 = arith.subf %exp3A, %sub3A_54 : vector<10000x128xf32>
    %select_n3A = arith.select %gt3A_52, %add3A_50, %sub3A_55 : vector<10000x128xi1>, vector<10000x128xf32>
    %get3A_56 = arith.constant 0 : index
    %get3A_57 = arith.constant 0 : index
    %get3A_58 = vector.load %arg6[%get3A_56, %get3A_57] : memref<128x128xf32, #tpu.memory_space<vmem>>, vector<128x128xf32>
    %dot_general3A_59 = arith.constant dense<0.000000e+00> : vector<10000x128xf32>
    %dot_general3A_60 = tpu.matmul %select_n3A, %get3A_58, %dot_general3A_59 {dimension_numbers = #tpu.dot_dimension_numbers<[1], [0], [0], [1], [0, 0, 1, 1], [], []>, transpose_lhs_hint = false} : vector<10000x128xf32>, vector<128x128xf32>, vector<10000x128xf32> -> vector<10000x128xf32>
    %get3A_61 = arith.constant 0 : index
    %get3A_62 = arith.constant 0 : index
    %get3A_63 = vector.load %arg7[%get3A_61, %get3A_62] : memref<1x128xf32, #tpu.memory_space<vmem>>, vector<1x128xf32>
    %add3A_64 = vector.broadcast %get3A_63 : vector<1x128xf32> to vector<10000x128xf32>
    %add3A_65 = arith.addf %dot_general3A_60, %add3A_64 : vector<10000x128xf32>
    %gt3A_66 = arith.constant 0.000000e+00 : f32
    %gt3A_67 = vector.broadcast %gt3A_66 : f32 to vector<10000x128xf32>
    %gt3A_68 = arith.cmpf ogt, %add3A_65, %gt3A_67 : vector<10000x128xf32>
    %exp3A_69 = math.exp %add3A_65 : vector<10000x128xf32>
    %sub3A_70 = arith.constant 1.000000e+00 : f32
    %sub3A_71 = vector.broadcast %sub3A_70 : f32 to vector<10000x128xf32>
    %sub3A_72 = arith.subf %exp3A_69, %sub3A_71 : vector<10000x128xf32>
    %select_n3A_73 = arith.select %gt3A_68, %add3A_65, %sub3A_72 : vector<10000x128xi1>, vector<10000x128xf32>
    %swap3A = arith.constant 0 : index
    %swap3A_74 = arith.constant 0 : index
    %swap3A_75 = vector.load %arg8[%swap3A, %swap3A_74] : memref<10000x128xf32, #tpu.memory_space<vmem>>, vector<10000x128xf32>
    tpu.vector_store %arg8[%swap3A, %swap3A_74], %select_n3A_73 {strides = array<i32>} : memref<10000x128xf32, #tpu.memory_space<vmem>>, vector<10000x128xf32>,
    return
  }
}

module attributes {stable_mosaic.version = 14 : i64} {
  func.func @_tc_post_body(%arg0: memref<10000x128xf32, #tpu.memory_space<vmem>>, %arg1: memref<2x10112x128xf32, #tpu.memory_space<vmem>>, %arg2: memref<1x10000xi32, #tpu.memory_space<vmem>>, %arg3: memref<128x128xf32, #tpu.memory_space<vmem>>, %arg4: memref<1x128xf32, #tpu.memory_space<vmem>>, %arg5: memref<128x128xf32, #tpu.memory_space<vmem>>, %arg6: memref<1x128xf32, #tpu.memory_space<vmem>>, %arg7: memref<128x128xf32, #tpu.memory_space<vmem>>, %arg8: memref<1x128xf32, #tpu.memory_space<vmem>>, %arg9: memref<128x64xf32, #tpu.memory_space<vmem>>, %arg10: memref<1x64xf32, #tpu.memory_space<vmem>>, %arg11: memref<64x10xf32, #tpu.memory_space<vmem>>, %arg12: memref<1x10xf32, #tpu.memory_space<vmem>>, %arg13: memref<64x10xf32, #tpu.memory_space<vmem>>) attributes {dimension_semantics = [], scalar_prefetch = 0 : i64, scratch_operands = 0 : i64, tpu.core_type = #tpu.core_type<tc>} {
    %get3A = arith.constant 0 : index
    %get3A_0 = arith.constant 0 : index
    %get3A_1 = vector.load %arg0[%get3A, %get3A_0] : memref<10000x128xf32, #tpu.memory_space<vmem>>, vector<10000x128xf32>
    %get3A_2 = arith.constant 0 : index
    %get3A_3 = arith.constant 0 : index
    %get3A_4 = arith.constant 0 : index
    %get3A_5 = vector.load %arg1[%get3A_2, %get3A_3, %get3A_4] : memref<2x10112x128xf32, #tpu.memory_space<vmem>>, vector<1x10000x128xf32>
    %get3A_6 = vector.shape_cast %get3A_5 : vector<1x10000x128xf32> to vector<10000x128xf32>
    %add3A = arith.addf %get3A_1, %get3A_6 : vector<10000x128xf32>
    %get3A_7 = arith.constant 1 : index
    %get3A_8 = arith.constant 0 : index
    %get3A_9 = arith.constant 0 : index
    %get3A_10 = vector.load %arg1[%get3A_7, %get3A_8, %get3A_9] : memref<2x10112x128xf32, #tpu.memory_space<vmem>>, vector<1x10000x128xf32>
    %get3A_11 = vector.shape_cast %get3A_10 : vector<1x10000x128xf32> to vector<10000x128xf32>
    %add3A_12 = arith.addf %add3A, %get3A_11 : vector<10000x128xf32>
    %get3A_13 = arith.constant 0 : index
    %get3A_14 = arith.constant 0 : index
    %get3A_15 = vector.load %arg3[%get3A_13, %get3A_14] : memref<128x128xf32, #tpu.memory_space<vmem>>, vector<128x128xf32>
    %dot_general3A = arith.constant dense<0.000000e+00> : vector<10000x128xf32>
    %dot_general3A_16 = tpu.matmul %add3A_12, %get3A_15, %dot_general3A {dimension_numbers = #tpu.dot_dimension_numbers<[1], [0], [0], [1], [0, 0, 1, 1], [], []>, transpose_lhs_hint = false} : vector<10000x128xf32>, vector<128x128xf32>, vector<10000x128xf32> -> vector<10000x128xf32>
    %get3A_17 = arith.constant 0 : index
    %get3A_18 = arith.constant 0 : index
    %get3A_19 = vector.load %arg4[%get3A_17, %get3A_18] : memref<1x128xf32, #tpu.memory_space<vmem>>, vector<1x128xf32>
    %add3A_20 = vector.broadcast %get3A_19 : vector<1x128xf32> to vector<10000x128xf32>
    %add3A_21 = arith.addf %dot_general3A_16, %add3A_20 : vector<10000x128xf32>
    %gt3A = arith.constant 0.000000e+00 : f32
    %gt3A_22 = vector.broadcast %gt3A : f32 to vector<10000x128xf32>
    %gt3A_23 = arith.cmpf ogt, %add3A_21, %gt3A_22 : vector<10000x128xf32>
    %exp3A = math.exp %add3A_21 : vector<10000x128xf32>
    %sub3A = arith.constant 1.000000e+00 : f32
    %sub3A_24 = vector.broadcast %sub3A : f32 to vector<10000x128xf32>
    %sub3A_25 = arith.subf %exp3A, %sub3A_24 : vector<10000x128xf32>
    %select_n3A = arith.select %gt3A_23, %add3A_21, %sub3A_25 : vector<10000x128xi1>, vector<10000x128xf32>
    %get3A_26 = arith.constant 0 : index
    %get3A_27 = arith.constant 0 : index
    %get3A_28 = vector.load %arg5[%get3A_26, %get3A_27] : memref<128x128xf32, #tpu.memory_space<vmem>>, vector<128x128xf32>
    %dot_general3A_29 = arith.constant dense<0.000000e+00> : vector<10000x128xf32>
    %dot_general3A_30 = tpu.matmul %select_n3A, %get3A_28, %dot_general3A_29 {dimension_numbers = #tpu.dot_dimension_numbers<[1], [0], [0], [1], [0, 0, 1, 1], [], []>, transpose_lhs_hint = false} : vector<10000x128xf32>, vector<128x128xf32>, vector<10000x128xf32> -> vector<10000x128xf32>
    %get3A_31 = arith.constant 0 : index
    %get3A_32 = arith.constant 0 : index
    %get3A_33 = vector.load %arg6[%get3A_31, %get3A_32] : memref<1x128xf32, #tpu.memory_space<vmem>>, vector<1x128xf32>
    %add3A_34 = vector.broadcast %get3A_33 : vector<1x128xf32> to vector<10000x128xf32>
    %add3A_35 = arith.addf %dot_general3A_30, %add3A_34 : vector<10000x128xf32>
    %gt3A_36 = arith.constant 0.000000e+00 : f32
    %gt3A_37 = vector.broadcast %gt3A_36 : f32 to vector<10000x128xf32>
    %gt3A_38 = arith.cmpf ogt, %add3A_35, %gt3A_37 : vector<10000x128xf32>
    %exp3A_39 = math.exp %add3A_35 : vector<10000x128xf32>
    %sub3A_40 = arith.constant 1.000000e+00 : f32
    %sub3A_41 = vector.broadcast %sub3A_40 : f32 to vector<10000x128xf32>
    %sub3A_42 = arith.subf %exp3A_39, %sub3A_41 : vector<10000x128xf32>
    %select_n3A_43 = arith.select %gt3A_38, %add3A_35, %sub3A_42 : vector<10000x128xi1>, vector<10000x128xf32>
    %iota3A = tpu.iota {dimensions = array<i32: 0>} : vector<64x10000xi32>
    %get3A_44 = arith.constant 0 : index
    %get3A_45 = arith.constant 0 : index
    %get3A_46 = vector.load %arg2[%get3A_44, %get3A_45] : memref<1x10000xi32, #tpu.memory_space<vmem>>, vector<1x10000xi32>
    %eq3A = vector.broadcast %get3A_46 : vector<1x10000xi32> to vector<64x10000xi32>
    %eq3A_47 = arith.cmpi eq, %iota3A, %eq3A : vector<64x10000xi32>
    %convert_element_type3A = arith.extui %eq3A_47 : vector<64x10000xi1> to vector<64x10000xi32>
    %convert_element_type3A_48 = arith.sitofp %convert_element_type3A : vector<64x10000xi32> to vector<64x10000xf32>
    %dot_general3A_49 = arith.constant dense<0.000000e+00> : vector<64x128xf32>
    %dot_general3A_50 = tpu.matmul %convert_element_type3A_48, %select_n3A_43, %dot_general3A_49 {dimension_numbers = #tpu.dot_dimension_numbers<[1], [0], [0], [1], [0, 0, 1, 1], [], []>, transpose_lhs_hint = false} : vector<64x10000xf32>, vector<10000x128xf32>, vector<64x128xf32> -> vector<64x128xf32>
    %get3A_51 = arith.constant 0 : index
    %get3A_52 = arith.constant 0 : index
    %get3A_53 = vector.load %arg7[%get3A_51, %get3A_52] : memref<128x128xf32, #tpu.memory_space<vmem>>, vector<128x128xf32>
    %dot_general3A_54 = arith.constant dense<0.000000e+00> : vector<64x128xf32>
    %dot_general3A_55 = tpu.matmul %dot_general3A_50, %get3A_53, %dot_general3A_54 {dimension_numbers = #tpu.dot_dimension_numbers<[1], [0], [0], [1], [0, 0, 1, 1], [], []>, transpose_lhs_hint = false} : vector<64x128xf32>, vector<128x128xf32>, vector<64x128xf32> -> vector<64x128xf32>
    %get3A_56 = arith.constant 0 : index
    %get3A_57 = arith.constant 0 : index
    %get3A_58 = vector.load %arg8[%get3A_56, %get3A_57] : memref<1x128xf32, #tpu.memory_space<vmem>>, vector<1x128xf32>
    %add3A_59 = vector.broadcast %get3A_58 : vector<1x128xf32> to vector<64x128xf32>
    %add3A_60 = arith.addf %dot_general3A_55, %add3A_59 : vector<64x128xf32>
    %gt3A_61 = arith.constant 0.000000e+00 : f32
    %gt3A_62 = vector.broadcast %gt3A_61 : f32 to vector<64x128xf32>
    %gt3A_63 = arith.cmpf ogt, %add3A_60, %gt3A_62 : vector<64x128xf32>
    %exp3A_64 = math.exp %add3A_60 : vector<64x128xf32>
    %sub3A_65 = arith.constant 1.000000e+00 : f32
    %sub3A_66 = vector.broadcast %sub3A_65 : f32 to vector<64x128xf32>
    %sub3A_67 = arith.subf %exp3A_64, %sub3A_66 : vector<64x128xf32>
    %select_n3A_68 = arith.select %gt3A_63, %add3A_60, %sub3A_67 : vector<64x128xi1>, vector<64x128xf32>
    %get3A_69 = arith.constant 0 : index
    %get3A_70 = arith.constant 0 : index
    %get3A_71 = vector.load %arg9[%get3A_69, %get3A_70] : memref<128x64xf32, #tpu.memory_space<vmem>>, vector<128x64xf32>
    %dot_general3A_72 = arith.constant dense<0.000000e+00> : vector<64x64xf32>
    %dot_general3A_73 = tpu.matmul %select_n3A_68, %get3A_71, %dot_general3A_72 {dimension_numbers = #tpu.dot_dimension_numbers<[1], [0], [0], [1], [0, 0, 1, 1], [], []>, transpose_lhs_hint = false} : vector<64x128xf32>, vector<128x64xf32>, vector<64x64xf32> -> vector<64x64xf32>
    %get3A_74 = arith.constant 0 : index
    %get3A_75 = arith.constant 0 : index
    %get3A_76 = vector.load %arg10[%get3A_74, %get3A_75] : memref<1x64xf32, #tpu.memory_space<vmem>>, vector<1x64xf32>
    %add3A_77 = vector.broadcast %get3A_76 : vector<1x64xf32> to vector<64x64xf32>
    %add3A_78 = arith.addf %dot_general3A_73, %add3A_77 : vector<64x64xf32>
    %gt3A_79 = arith.constant 0.000000e+00 : f32
    %gt3A_80 = vector.broadcast %gt3A_79 : f32 to vector<64x64xf32>
    %gt3A_81 = arith.cmpf ogt, %add3A_78, %gt3A_80 : vector<64x64xf32>
    %exp3A_82 = math.exp %add3A_78 : vector<64x64xf32>
    %sub3A_83 = arith.constant 1.000000e+00 : f32
    %sub3A_84 = vector.broadcast %sub3A_83 : f32 to vector<64x64xf32>
    %sub3A_85 = arith.subf %exp3A_82, %sub3A_84 : vector<64x64xf32>
    %select_n3A_86 = arith.select %gt3A_81, %add3A_78, %sub3A_85 : vector<64x64xi1>, vector<64x64xf32>
    %get3A_87 = arith.constant 0 : index
    %get3A_88 = arith.constant 0 : index
    %get3A_89 = vector.load %arg11[%get3A_87, %get3A_88] : memref<64x10xf32, #tpu.memory_space<vmem>>, vector<64x10xf32>
    %dot_general3A_90 = arith.constant dense<0.000000e+00> : vector<64x10xf32>
    %dot_general3A_91 = tpu.matmul %select_n3A_86, %get3A_89, %dot_general3A_90 {dimension_numbers = #tpu.dot_dimension_numbers<[1], [0], [0], [1], [0, 0, 1, 1], [], []>, transpose_lhs_hint = false} : vector<64x64xf32>, vector<64x10xf32>, vector<64x10xf32> -> vector<64x10xf32>
    %get3A_92 = arith.constant 0 : index
    %get3A_93 = arith.constant 0 : index
    %get3A_94 = vector.load %arg12[%get3A_92, %get3A_93] : memref<1x10xf32, #tpu.memory_space<vmem>>, vector<1x10xf32>
    %add3A_95 = vector.broadcast %get3A_94 : vector<1x10xf32> to vector<64x10xf32>
    %add3A_96 = arith.addf %dot_general3A_91, %add3A_95 : vector<64x10xf32>
    %reduce_max3A = arith.constant dense<0xFF800000> : vector<64xf32>
    %reduce_max3A_97 = vector.multi_reduction <maximumf>, %add3A_96, %reduce_max3A [1] : vector<64x10xf32> to vector<64xf32>
    %broadcast_in_dim3A = vector.shape_cast %reduce_max3A_97 : vector<64xf32> to vector<64x1xf32>
    %sub3A_98 = vector.broadcast %broadcast_in_dim3A : vector<64x1xf32> to vector<64x10xf32>
    %sub3A_99 = arith.subf %add3A_96, %sub3A_98 : vector<64x10xf32>
    %exp3A_100 = math.exp %sub3A_99 : vector<64x10xf32>
    %reduce_sum3A = arith.constant dense<0.000000e+00> : vector<64xf32>
    %reduce_sum3A_101 = vector.multi_reduction <add>, %exp3A_100, %reduce_sum3A [1] : vector<64x10xf32> to vector<64xf32>
    %broadcast_in_dim3A_102 = vector.shape_cast %reduce_sum3A_101 : vector<64xf32> to vector<64x1xf32>
    %log3A = math.log %broadcast_in_dim3A_102 : vector<64x1xf32>
    %add3A_103 = arith.addf %broadcast_in_dim3A, %log3A : vector<64x1xf32>
    %sub3A_104 = vector.broadcast %add3A_103 : vector<64x1xf32> to vector<64x10xf32>
    %sub3A_105 = arith.subf %add3A_96, %sub3A_104 : vector<64x10xf32>
    %swap3A = arith.constant 0 : index
    %swap3A_106 = arith.constant 0 : index
    %swap3A_107 = vector.load %arg13[%swap3A, %swap3A_106] : memref<64x10xf32, #tpu.memory_space<vmem>>, vector<64x10xf32>
    tpu.vector_store %arg13[%swap3A, %swap3A_106], %sub3A_105 {strides = array<i32>} : memref<64x10xf32, #tpu.memory_space<vmem>>, vector<64x10xf32>,
    return
  }
}

</mosaic_0001>

<sc_bundles>
// kernel: kernel.6.cloned.1.call-start
scs
__scs_entry_jumppad:
0x0: {  	(pc) =	sbr.rel $0x88, $3  }
0x1: {  	(tag) =	ssettag $0x0;
	lr =	simm.s32 $0x1  }
0x2: {  	[smem:$0x3F8E] =	sst lr;
	_ =	strace $0xD0000000  }
0x3: {  	_ = 	snop  }
0x4: {  	_ = 	snop  }
0x5: {  	_ = 	snop  }
0x6: {  	_ = 	snop  }
0x7: {  	_ = 	snop  }
__scs_overlays_trampoline_lowered:
0x8: {  	[smem:$0x3F9D] =	sst s0  }
0x9: {  	[smem:$0x3F9E] =	sst s1  }
0xa: {  	[smem:$0x3F9F] =	sst s2  }
0xb: {  	[smem:$0x3FA0] =	sst s3  }
0xc: {  	[smem:$0x3FA1] =	sst s4  }
0xd: {  	[smem:$0x3FA2] =	sst s5  }
0xe: {  	[smem:$0x3FA3] =	sst s6  }
0xf: {  	[smem:$0x3FA4] =	sst s7  }
0x10: {  	[smem:$0x3FA5] =	sst s8  }
0x11: {  	[smem:$0x3FA6] =	sst s9;
	s0 =	simm.s32 @!p0 $0x0  }
0x12: {  	s1 =	sld [smem:$0x3F8C];
	s0 =	simm.s32 @p0 $0x1  }
0x13: {  	[smem:$0x3FA7] =	sst s0;
	s0 =	simm.s32 @!p1 $0x0  }
0x14: {  	s2 =	sld [smem:$0x3F8B];
	s0 =	simm.s32 @p1 $0x1  }
0x15: {  	[smem:$0x3FA8] =	sst s0;
	s0 =	simm.s32 @!p2 $0x0  }
0x16: {  	s3 =	sld [smem:$0x3FDB];
	s0 =	simm.s32 @p2 $0x1  }
0x17: {  	s4 =	simm.s32 $0x1BF5;
	[smem:$0x3FAA] =	sst s0  }
0x18: {  	s0 =	sld [smem:$0x3F8D];
	_ =	swait.ge [sflag:s4], $0x0  }
0x19: {  	s7 =	sld [smem:$0x3F8E]  }
0x1a: {  	s8 =	sadd.s32 $0xFFFFE003, lr  }
0x1b: {  	s9 =	sadd.s32 $0xFFFFFEF7, lr;
	s5 =	simm.s32 $0xFFFFFFFF;
	p2 =	slt.u32 s8, $0xFFFFF086  }
0x1c: {  	p1 =	slt.u32 s9, $0xF7A;
	s5 =	simm.s32 @!p2 $0x0  }
0x1d: {  	s5 =	simm.s32 @p1 $0x1;
	p0 =	seq.s32 s7, s2  }
0x1e: {  	s7 =	smul.u32 @!p0 $0xF7A, s2;
	p2 =	seq.s32 @!p0 s5, $0x0  }
0x1f: {  	s9 =	smul.u32 $0xF7A, s1;
	s8 =	simm.s32 @!p0 $0x1BF5;
	p2 =	por !p2, p0  }
0x20: {  	[sflag:s8] =	ssyncset.s32 @!p0 $0xFFFFF086;
	s6 =	sadd.s32 @!p0 s3, s7;
	s7 =	simm.s32 @!p0 $0x108  }
0x21: {  	s3 =	sadd.s32 s3, s9;
	s6 =	sadd.s32 @!p0 $0x88, s6;
	s7 =	simm.s32 @p2 $0x1082  }
0x22: {  	[simem:s7], [sflag:s8] =	dma.local @!p0 [hbm:s6], $0xF7A  }
0x23: {  	s9 =	sor.u32 $0xD0000000, s2;
	s6 =	simm.s32 $0x108;
	_ =	swait.ge @!p0 [sflag:s8], $0x0  }
0x24: {  	s3 =	sadd.s32 $0x88, s3;
	s6 =	simm.s32 @!p1 $0x1082;
	[sflag:s4] =	ssyncset.s32 $0xFFFFF086  }
0x25: {  	[simem:s6], [sflag:s4] =	dma.local [hbm:s3], $0xF7A  }
0x26: {  	[smem:$0x3F8E] =	sst s1;
	(tag) =	ssettag s2;
	_ =	strace s9  }
0x27: {  	s1 =	sld [smem:$0x3F9E]  }
0x28: {  	s2 =	sld [smem:$0x3F9F]  }
0x29: {  	s4 =	sld [smem:$0x3FA1]  }
0x2a: {  	p0 =	seq.s32 s5, $0x0;
	s5 =	sld [smem:$0x3FA2]  }
0x2b: {  	s6 =	sld [smem:$0x3FA3]  }
0x2c: {  	s7 =	sld [smem:$0x3FA4]  }
0x2d: {  	s3 =	simm.s32 $0x108;
	s8 =	sld [smem:$0x3FA5]  }
0x2e: {  	s3 =	simm.s32 @!p0 $0x1082;
	s9 =	sld [smem:$0x3FA6]  }
0x2f: {  	lr =	sadd.s32 s0, s3;
	s0 =	sld [smem:$0x3F9D]  }
0x30: {  	s3 =	sld [smem:$0x3FA0]  }
0x31: {  	[smem:$0x3FA9] =	sst s10  }
0x32: {  	s10 =	sld [smem:$0x3FA7];
	_ =	sdelay $0x3  }
0x33: {  	p0 =	seq.s32 s10, $0x1;
	s10 =	sld [smem:$0x3FA9];
	_ =	sdelay $0x3  }
0x34: {  	[smem:$0x3FA9] =	sst s10  }
0x35: {  	s10 =	sld [smem:$0x3FA8];
	_ =	sdelay $0x3  }
0x36: {  	p1 =	seq.s32 s10, $0x1;
	s10 =	sld [smem:$0x3FA9];
	_ =	sdelay $0x3  }
0x37: {  	[smem:$0x3FA9] =	sst s10  }
0x38: {  	s10 =	sld [smem:$0x3FAA]  }
0x39: {  	_ = 	snop;
	(pc) =	sbr.ind lr, $3  }
0x3a: {  	_ = 	snop  }
0x3b: {  	_ = 	snop  }
0x3c: {  	p2 =	seq.s32 s10, $0x1;
	s10 =	sld [smem:$0x3FA9]  }
0x3d: {  	_ =	shalt  }
0x3e: {  	_ =	shalt  }
0x3f: {  	_ =	shalt  }
0x40: {  	_ =	shalt  }
0x41: {  	_ =	shalt  }
0x42: {  	_ =	shalt  }
0x43: {  	_ =	shalt  }
0x44: {  	_ =	shalt  }
0x45: {  	_ =	shalt  }
0x46: {  	_ =	shalt  }
0x47: {  	_ =	shalt  }
0x48: {  	_ =	shalt  }
0x49: {  	_ =	shalt  }
0x4a: {  	_ =	shalt  }
0x4b: {  	_ =	shalt  }
0x4c: {  	_ =	shalt  }
0x4d: {  	_ =	shalt  }
0x4e: {  	_ =	shalt  }
0x4f: {  	_ =	shalt  }
0x50: {  	_ =	shalt  }
0x51: {  	_ =	shalt  }
0x52: {  	_ =	shalt  }
0x53: {  	_ =	shalt  }
0x54: {  	_ =	shalt  }
0x55: {  	_ =	shalt  }
0x56: {  	_ =	shalt  }
0x57: {  	_ =	shalt  }
0x58: {  	_ =	shalt  }
0x59: {  	_ =	shalt  }
0x5a: {  	_ =	shalt  }
0x5b: {  	_ =	shalt  }
0x5c: {  	_ =	shalt  }
0x5d: {  	_ =	shalt  }
0x5e: {  	_ =	shalt  }
0x5f: {  	_ =	shalt  }
0x60: {  	_ =	shalt  }
0x61: {  	_ =	shalt  }
0x62: {  	_ =	shalt  }
0x63: {  	_ =	shalt  }
0x64: {  	_ =	shalt  }
0x65: {  	_ =	shalt  }
0x66: {  	_ =	shalt  }
0x67: {  	_ =	shalt  }
0x68: {  	_ =	shalt  }
0x69: {  	_ =	shalt  }
0x6a: {  	_ =	shalt  }
0x6b: {  	_ =	shalt  }
0x6c: {  	_ =	shalt  }
0x6d: {  	_ =	shalt  }
0x6e: {  	_ =	shalt  }
0x6f: {  	_ =	shalt  }
0x70: {  	_ =	shalt  }
0x71: {  	_ =	shalt  }
0x72: {  	_ =	shalt  }
0x73: {  	_ =	shalt  }
0x74: {  	_ =	shalt  }
0x75: {  	_ =	shalt  }
0x76: {  	_ =	shalt  }
0x77: {  	_ =	shalt  }
0x78: {  	_ =	shalt  }
0x79: {  	_ =	shalt  }
0x7a: {  	_ =	shalt  }
0x7b: {  	_ =	shalt  }
0x7c: {  	_ =	shalt  }
0x7d: {  	_ =	shalt  }
0x7e: {  	_ =	shalt  }
0x7f: {  	_ =	shalt  }
0x80: {  	_ =	shalt  }
0x81: {  	_ =	shalt  }
0x82: {  	_ =	shalt  }
0x83: {  	_ =	shalt  }
0x84: {  	_ =	shalt  }
0x85: {  	_ =	shalt  }
0x86: {  	_ =	shalt  }
0x87: {  	_ =	shalt  }
.Lfunc_end0:
.L_simem_size_0:
called_computation_lowered:
.L_overlay_start_0:
0x88: {  	s2 =	sld [smem:$0x3FD9]  }
0x89: {  	s3 =	sld [smem:$0x3FFE];
	_ =	sdelay $0x1  }
0x8a: {  	s1 =	srdreg.scid  }
0x8b: {  	s0 =	sand.u32 $0x1, s1  }
0x8c: {  	s17 =	sshll.u32 s0, $0xA;
	s2 =	sadd.s32 s3, s2  }
0x8d: {  	s2 =	sadd.s32 s2, s17  }
0x8e: {  	[smem:$0x3FB5] =	sst s2  }
0x8f: {  	_ = 	snop  }
0x90: {  	s2 =	sld [smem:$0x3FC9];
	(tm) =	ssettm $0x1  }
0x91: {  	s18 =	sld [smem:$0x3FFB];
	_ =	sdelay $0x3  }
0x92: {  	_ =	strace s18  }
0x93: {  	s3 =	sld [smem:$0x3FFC];
	_ =	sdelay $0x3  }
0x94: {  	_ =	strace s3  }
0x95: {  	s3 =	sld [smem:$0x3FFD];
	_ =	sdelay $0x3  }
0x96: {  	_ =	strace s3  }
0x97: {  	_ =	strace $0x8FFFFFFF  }
0x98: {  	s19 =	sld [smem:$0x3FDB];
	_ =	sdelay $0x1  }
0x99: {  	s4 =	simm.s32 $_scs_section_size  }
0x9a: {  	s5 =	simm.s32 $_size__tile_overlayer_lowered;
	s6 =	simm.s32 $_tile_overlayer_lowered  }
0x9b: {  	s22 =	simm.s32 $0x1BFF;
	s21 =	sshll.u32 s6, $0x1;
	s3 =	sadd.s32 s4, s19  }
0x9c: {  	s7 =	simm.s32 $0x0;
	s20 =	sshll.u32 s5, $0x1;
	s5 =	sadd.s32 s21, s3  }
0x9d: {  	[timem:s7], [sflag:s22] =	dma.local [hbm:s5], s20  }
0x9e: {  	_ =	swait.ge [sflag:s22], s20  }
0x9f: {  	s4 =	ssub.s32 $0x0, s20;
	[sflag:s22] =	ssyncset.done $0x0  }
0xa0: {  	[sflag:s22] =	ssyncadd.s32 s4;
	_ =	sdelay $0x1  }
0xa1: {  	s23 =	simm.s32 $0x1B8B  }
0xa2: {  	_ =	swait.ge [sflag:s23], $0x1  }
0xa3: {  	[sflag:s23] =	ssyncset.done $0x0  }
0xa4: {  	s25 =	simm.s32 $0x1B8E;
	s24 =	sld [smem:$0x3FFE];
	[sflag:s23] =	ssyncadd.s32 $0xFFFFFFFF  }
0xa5: {  	s26 =	simm.s32 $execute0_lowered;
	[smem:$0x3FD2] =	sst s25  }
0xa6: {  	s5 =	sshll.u32 s26, $0x1;
	_ =	strace $0x80000046;
	[dreg:$0x1] =	wrdreg $0xFFFFFFFF  }
0xa7: {  	s28 =	simm.s32 $_size_execute0_lowered;
	s3 =	sadd.s32 s3, s5;
	[dreg:$0x0] =	wrdreg $0x0  }
0xa8: {  	s5 =	sshll.u32 s28, $0x1;
	[dreg:$0x2] =	wrdreg s3  }
0xa9: {  	[dreg:$0x3] =	wrdreg s5  }
0xaa: {  	[dreg:$0x4] =	wrdreg $0xC0  }
0xab: {  	_ =	task [dreg:s7], $0x5FFFF  }
0xac: {  	[dreg:$0x1] =	wrdreg $0xFFFFFFFF  }
0xad: {  	[dreg:$0x0] =	wrdreg $0x60  }
0xae: {  	[dreg:$0x2] =	wrdreg s2  }
0xaf: {  	[dreg:$0x3] =	wrdreg s24  }
0xb0: {  	[dreg:$0x4] =	wrdreg $0xA8000  }
0xb1: {  	[dreg:$0x5] =	wrdreg $0x9  }
0xb2: {  	_ =	task.clear_ibuf [dreg:s7], $0x6FFFF;
	_ =	strace $0x90000046  }
0xb3: {  	s29 =	simm.s32 $0x9;
	_ =	strace $0x80000048  }
0xb4: {  	_ =	swait.ge [sflag:s29], $0x1  }
0xb5: {  	[sflag:s29] =	ssyncadd.s32 $0xFFFFFFFF  }
0xb6: {  	_ =	strace $0x90000048  }
0xb7: {  	_ =	sfence  }
0xb8: {  	s30 =	sld [smem:$0x0];
	_ =	sdelay $0x2  }
0xb9: {  	s31 =	sshll.u32 s1, $0xD;
	s1 =	sshrl.u32 s1, $0x2  }
0xba: {  	s3 =	sand.u32 $0x4000, s31;
	s1 =	sadd.s32 s1, s30  }
0xbb: {  	s0 =	sor.u32 s3, s0;
	s1 =	sshll.u32 s1, $0x11  }
0xbc: {  	s0 =	sor.u32 s1, s0  }
0xbd: {  	s0 =	sadd.s32 $0x8F2B, s0  }
0xbe: {  	[sflag:s0] =	ssyncadd.remote.s32 $0x1  }
0xbf: {  	_ =	sfence.sel $0xFFFF  }
0xc0: {  	[dreg:$0x0] =	wrdreg $0xFFFFFFFF;
	(pc) =	sbr.abs _section_cstart, $3  }
0xc1: {  	[dreg:$0x1] =	wrdreg $0xFFFFFFFF  }
0xc2: {  	_ =	task.clear_ibuf [dreg:s7], $0x2FFFF;
	_ =	strace $0x9FFFFFFF  }
0xc3: {  	(tm) =	ssettm $0x7FFFFFFF  }
tec
execute0_lowered:
.L_overlay_start_1:
0x0: {  	(tag) =	ssettag $0x1  }
0x1: {  	s1 =	rddreg [dreg:$0x0]  }
0x2: {  	s6 =	rddreg [dreg:$0x1]  }
0x3: {  	s2 =	rddreg [dreg:$0x2];
	s3 =	srdreg.scid  }
0x4: {  	s0 =	rddreg [dreg:$0x3];
	s4 =	simm.s32 $0x0;
	s15 =	simm.s32 $0x1400  }
0x5: {  	s16 =	simm.s32 $0x80;
	s17 =	simm.s32 $0x2800;
	s18 =	simm.s32 $0x6800  }
0x6: {  	s19 =	simm.s32 $0x1;
	s20 =	simm.s32 $0x2;
	s21 =	simm.s32 $0x1380  }
0x7: {  	s22 =	simm.s32 $0x2700;
	s23 =	simm.s32 $0x2780;
	s24 =	simm.s32 $0x0  }
0x8: {  	s7 =	sand.u32 $0x1, s3;
	s3 =	stileid.u32;
	[smem:$0x7FF] =	sst s4  }
0x9: {  	s11 =	sadd.s32 $0x3200, s6;
	s12 =	sadd.s32 $0xD200, s6;
	s8 =	smul.u32 $0x13C000, s7  }
0xa: {  	s5 =	sadd.s32 $0x17200, s6;
	s9 =	smul.u32 $0x13C00, s3;
	_ =	strace $0x80000047  }
0xb: {  	s26 =	sshll.u32 s3, $0x1;
	s10 =	smul.u32 $0x4F000, s3;
	s28 =	ssub.s32 $0x2, s7  }
0xc: {  	s30 =	sshll.u32 s3, $0x6;
	s7 =	sor.u32 s7, s26;
	s29 =	sshrl.u32 s28, $0x1  }
0xd: {  	s8 =	sadd.s32 s9, s8;
	s10 =	sshrl.u32 s10, $0x2;
	s13 =	smul.u32 $0x2800, s7  }
0xe: {  	s9 =	ssub.s32 s28, s29;
	s8 =	sshrl.u32 s8, $0x3;
	s14 =	sadd.s32 s10, s2  }
0xf: {  	s8 =	sadd.s32 s8, s6;
	s6 =	sor.u32 $0x1C03, s30;
	s31 =	sshrl.u32 s13, $0x3  }
0x10: {  	s7 =	sadd.s32 $0x19A00, s8;
	s8 =	smax.u32 s9, $0x1;
	s13 =	sadd.s32 $0x280, s31  }
0x11: {  	s9 =	sadd.s32 s11, s31;
	s10 =	sadd.s32 s12, s31;
	s11 =	sadd.s32 s11, s13  }
0x12: {  	s12 =	sadd.s32 s12, s13;
	s13 =	sshrl.u32 s14, $0x3;
	s14 =	simm.s32 $0x3  }
.LBB2_1:
0x13: {  	[spmem:s13], [sflag:s6] =	dma.local [hbm:s5], $0x2780  }
0x14: {  	_ =	swait.ge [sflag:s14], $0x2780  }
0x15: {  	[sflag:s14] =	ssyncset.done $0x0  }
0x16: {  	[sflag:s14] =	ssyncadd.s32 $0xFFFFD880  }
0x17: {  	[bflag:$0x0] =	sbarrier.arrive $0xFFFF  }
0x18: {  	[tilespmem:s4], [sflag:$0x3] =	stream.linear.gather [hbm4b:s9+s4], $0x1400, $0x38;
	[tilespmem:$0x1E400] =	vst v63  }
0x19: {  	_ =	swait.ge [sflag:s14], $0x1400  }
0x1a: {  	[sflag:s14] =	ssyncset.done $0x0  }
0x1b: {  	[sflag:s14] =	ssyncadd.s32 $0xFFFFEC00  }
0x1c: {  	[tilespmem:s15], [sflag:$0x3] =	stream.linear.gather [hbm4b:s10+s4], $0x1400, $0x38;
	[tilespmem:$0x1E400] =	vst v63  }
0x1d: {  	_ =	swait.ge [sflag:s14], $0x1400  }
0x1e: {  	[sflag:s14] =	ssyncset.done $0x0  }
0x1f: {  	[sflag:s14] =	ssyncadd.s32 $0xFFFFEC00  }
0x20: {  	[tilespmem:s17], [sflag:$0x1] =	stream.indirect.gather [hbm4b:s1+s16], $0x80, s4, s16, $0xb8;
	[tilespmem:$0x1E400] =	vst v63  }
0x21: {  	s25 =	simm.s32 $0x80  }
0x22: {  	[tilespmem:s18], [sflag:$0x2] =	stream.indirect.gather [hbm4b:s1+s16], $0x80, s25, s16, $0xb8;
	[tilespmem:$0x1E400] =	vst v63  }
0x23: {  	_ =	swait.ge [sflag:s19], $0x4000  }
0x24: {  	[sflag:s19] =	ssyncset.done $0x0  }
0x25: {  	s29 =	simm.s32 $0x1400;
	[sflag:s19] =	ssyncadd.s32 $0xFFFFC000  }
0x26: {  	[spmem:s2] =	stream.indirect.scatter.add.f32 [tilespmem:s17], [sflag:$0x3], $0x80, s29, s16, $0xb8;
	[tilespmem:$0x1E400] =	vst v63  }
0x27: {  	_ =	swait.ge [sflag:s14], $0x4000  }
0x28: {  	[sflag:s14] =	ssyncset.done $0x0  }
0x29: {  	s30 =	simm.s32 $0x100;
	[sflag:s14] =	ssyncadd.s32 $0xFFFFC000  }
0x2a: {  	[tilespmem:s17], [sflag:$0x1] =	stream.indirect.gather [hbm4b:s1+s16], $0x80, s30, s16, $0xb8;
	[tilespmem:$0x1E400] =	vst v63  }
0x2b: {  	_ =	swait.ge [sflag:s20], $0x4000  }
0x2c: {  	[sflag:s20] =	ssyncset.done $0x0  }
0x2d: {  	s31 =	simm.s32 $0x1480;
	[sflag:s20] =	ssyncadd.s32 $0xFFFFC000  }
0x2e: {  	[spmem:s2] =	stream.indirect.scatter.add.f32 [tilespmem:s18], [sflag:$0x3], $0x80, s31, s16, $0xb8;
	[tilespmem:$0x1E400] =	vst v63  }
0x2f: {  	_ =	swait.ge [sflag:s14], $0x4000  }
0x30: {  	s26 =	simm.s32 $0x800;
	s25 =	simm.s32 $0x100;
	[sflag:s14] =	ssyncset.done $0x0  }
.LBB2_2:
0x31: {  	s28 =	sadd.s32 $0x80, s25  }
0x32: {  	[sflag:s14] =	ssyncadd.s32 $0xFFFFC000;
	s29 =	smov.u32 s26;
	s30 =	sadd.s32 $0x400, s26  }
0x33: {  	[tilespmem:s18], [sflag:$0x2] =	stream.indirect.gather [hbm4b:s1+s16], $0x80, s28, s16, $0xb8;
	[tilespmem:$0x1E400] =	vst v63  }
0x34: {  	p0 =	sne.s32 s26, $0x4800;
	_ =	swait.ge [sflag:s19], $0x4000  }
0x35: {  	[sflag:s19] =	ssyncset.done $0x0  }
0x36: {  	s26 =	sadd.s32 $0x1400, s25;
	[sflag:s19] =	ssyncadd.s32 $0xFFFFC000  }
0x37: {  	[spmem:s2] =	stream.indirect.scatter.add.f32 [tilespmem:s17], [sflag:$0x3], $0x80, s26, s16, $0xb8;
	[tilespmem:$0x1E400] =	vst v63  }
0x38: {  	_ =	swait.ge [sflag:s14], $0x4000  }
0x39: {  	[sflag:s14] =	ssyncset.done $0x0  }
0x3a: {  	s26 =	sadd.s32 $0x100, s25;
	[sflag:s14] =	ssyncadd.s32 $0xFFFFC000  }
0x3b: {  	[tilespmem:s17], [sflag:$0x1] =	stream.indirect.gather [hbm4b:s1+s16], $0x80, s26, s16, $0xb8;
	[tilespmem:$0x1E400] =	vst v63  }
0x3c: {  	_ =	swait.ge [sflag:s20], $0x4000  }
.Ltmp0:
0x3d: {  	[sflag:s20] =	ssyncset.done $0x0;
	(pc) =	sbr.rel @p0 .LBB2_2-.Ltmp0, $4  }
0x3e: {  	s25 =	sadd.s32 $0x1480, s25;
	[sflag:s20] =	ssyncadd.s32 $0xFFFFC000  }
0x3f: {  	[spmem:s2] =	stream.indirect.scatter.add.f32 [tilespmem:s18], [sflag:$0x3], $0x80, s25, s16, $0xb8;
	[tilespmem:$0x1E400] =	vst v63  }
0x40: {  	_ =	swait.ge [sflag:s14], $0x4000  }
0x41: {  	s26 =	smov.u32 s30;
	s25 =	sshra.s32 s29, $0x2;
	[sflag:s14] =	ssyncset.done $0x0  }
0x42: {  	s26 =	sadd.s32 $0x80, s25;
	[sflag:s14] =	ssyncadd.s32 $0xFFFFC000  }
0x43: {  	[tilespmem:s18], [sflag:$0x2] =	stream.indirect.gather [hbm4b:s1+s16], $0x80, s26, s16, $0xb8;
	[tilespmem:$0x1E400] =	vst v63  }
0x44: {  	_ =	swait.ge [sflag:s19], $0x4000  }
0x45: {  	[sflag:s19] =	ssyncset.done $0x0  }
0x46: {  	s29 =	sadd.s32 $0x1400, s25;
	[sflag:s19] =	ssyncadd.s32 $0xFFFFC000  }
0x47: {  	[spmem:s2] =	stream.indirect.scatter.add.f32 [tilespmem:s17], [sflag:$0x3], $0x80, s29, s16, $0xb8;
	[tilespmem:$0x1E400] =	vst v63  }
0x48: {  	_ =	swait.ge [sflag:s14], $0x4000  }
0x49: {  	[sflag:s14] =	ssyncset.done $0x0  }
0x4a: {  	s30 =	sadd.s32 $0x100, s25;
	[sflag:s14] =	ssyncadd.s32 $0xFFFFC000  }
0x4b: {  	[tilespmem:s17], [sflag:$0x1] =	stream.indirect.gather [hbm4b:s1+s16], $0x80, s30, s16, $0xb8;
	[tilespmem:$0x1E400] =	vst v63  }
0x4c: {  	_ =	swait.ge [sflag:s20], $0x4000  }
0x4d: {  	[sflag:s20] =	ssyncset.done $0x0  }
0x4e: {  	s31 =	sadd.s32 $0x1480, s25;
	[sflag:s20] =	ssyncadd.s32 $0xFFFFC000  }
0x4f: {  	[spmem:s2] =	stream.indirect.scatter.add.f32 [tilespmem:s18], [sflag:$0x3], $0x80, s31, s16, $0xb8;
	[tilespmem:$0x1E400] =	vst v63  }
0x50: {  	_ =	swait.ge [sflag:s14], $0x4000  }
0x51: {  	[sflag:s14] =	ssyncset.done $0x0  }
0x52: {  	[sflag:s14] =	ssyncadd.s32 $0xFFFFC000  }
0x53: {  	[tilespmem:s18], [sflag:$0x2] =	stream.indirect.gather [hbm4b:s1+s16], $0x80, s21, s16, $0xb8;
	[tilespmem:$0x1E400] =	vst v63  }
0x54: {  	_ =	swait.ge [sflag:s19], $0x4000  }
0x55: {  	[sflag:s19] =	ssyncset.done $0x0  }
0x56: {  	[sflag:s19] =	ssyncadd.s32 $0xFFFFC000  }
0x57: {  	[spmem:s2] =	stream.indirect.scatter.add.f32 [tilespmem:s17], [sflag:$0x3], $0x80, s22, s16, $0xb8;
	[tilespmem:$0x1E400] =	vst v63  }
0x58: {  	_ =	swait.ge [sflag:s14], $0x4000  }
0x59: {  	[sflag:s14] =	ssyncset.done $0x0  }
0x5a: {  	s26 =	simm.s32 $0x0;
	[sflag:s14] =	ssyncadd.s32 $0xFFFFC000  }
0x5b: {  	[tilespmem:s17], [sflag:$0x1] =	stream.indirect.gather [hbm4b:s1+s16], $0x80, s26, s16, $0xb8;
	[tilespmem:$0x1E400] =	vst v63  }
0x5c: {  	_ =	swait.ge [sflag:s20], $0x4000  }
0x5d: {  	[sflag:s20] =	ssyncset.done $0x0  }
0x5e: {  	[sflag:s20] =	ssyncadd.s32 $0xFFFFC000  }
0x5f: {  	[spmem:s2] =	stream.indirect.scatter.add.f32 [tilespmem:s18], [sflag:$0x3], $0x80, s23, s16, $0xb8;
	[tilespmem:$0x1E400] =	vst v63  }
0x60: {  	_ =	swait.ge [sflag:s14], $0x4000  }
0x61: {  	[sflag:s14] =	ssyncset.done $0x0  }
0x62: {  	[sflag:s14] =	ssyncadd.s32 $0xFFFFC000  }
0x63: {  	_ =	swait.ge [sflag:s19], $0x4000  }
0x64: {  	[sflag:s19] =	ssyncset.done $0x0  }
0x65: {  	[sflag:s19] =	ssyncadd.s32 $0xFFFFC000  }
0x66: {  	[tilespmem:s26], [sflag:$0x3] =	stream.linear.gather [hbm4b:s11+s26], $0x1400, $0x38;
	[tilespmem:$0x1E400] =	vst v63  }
0x67: {  	_ =	swait.ge [sflag:s14], $0x1400  }
0x68: {  	[sflag:s14] =	ssyncset.done $0x0  }
0x69: {  	[sflag:s14] =	ssyncadd.s32 $0xFFFFEC00  }
0x6a: {  	[tilespmem:s15], [sflag:$0x3] =	stream.linear.gather [hbm4b:s12+s26], $0x1400, $0x38;
	[tilespmem:$0x1E400] =	vst v63  }
0x6b: {  	_ =	swait.ge [sflag:s14], $0x1400  }
0x6c: {  	[sflag:s14] =	ssyncset.done $0x0  }
0x6d: {  	[sflag:s14] =	ssyncadd.s32 $0xFFFFEC00  }
0x6e: {  	[tilespmem:s17], [sflag:$0x1] =	stream.indirect.gather [hbm4b:s1+s16], $0x80, s26, s16, $0xb8;
	[tilespmem:$0x1E400] =	vst v63  }
0x6f: {  	s28 =	simm.s32 $0x80  }
0x70: {  	[tilespmem:s18], [sflag:$0x2] =	stream.indirect.gather [hbm4b:s1+s16], $0x80, s28, s16, $0xb8;
	[tilespmem:$0x1E400] =	vst v63  }
0x71: {  	_ =	swait.ge [sflag:s19], $0x4000  }
0x72: {  	[sflag:s19] =	ssyncset.done $0x0  }
0x73: {  	s29 =	simm.s32 $0x1400;
	[sflag:s19] =	ssyncadd.s32 $0xFFFFC000  }
0x74: {  	[spmem:s2] =	stream.indirect.scatter.add.f32 [tilespmem:s17], [sflag:$0x3], $0x80, s29, s16, $0xb8;
	[tilespmem:$0x1E400] =	vst v63  }
0x75: {  	_ =	swait.ge [sflag:s14], $0x4000  }
0x76: {  	[sflag:s14] =	ssyncset.done $0x0  }
0x77: {  	s30 =	simm.s32 $0x100;
	[sflag:s14] =	ssyncadd.s32 $0xFFFFC000  }
0x78: {  	[tilespmem:s17], [sflag:$0x1] =	stream.indirect.gather [hbm4b:s1+s16], $0x80, s30, s16, $0xb8;
	[tilespmem:$0x1E400] =	vst v63  }
0x79: {  	_ =	swait.ge [sflag:s20], $0x4000  }
0x7a: {  	[sflag:s20] =	ssyncset.done $0x0  }
0x7b: {  	s31 =	simm.s32 $0x1480;
	[sflag:s20] =	ssyncadd.s32 $0xFFFFC000  }
0x7c: {  	[spmem:s2] =	stream.indirect.scatter.add.f32 [tilespmem:s18], [sflag:$0x3], $0x80, s31, s16, $0xb8;
	[tilespmem:$0x1E400] =	vst v63  }
0x7d: {  	_ =	swait.ge [sflag:s14], $0x4000  }
0x7e: {  	s25 =	simm.s32 $0x100;
	s26 =	simm.s32 $0x800;
	[sflag:s14] =	ssyncset.done $0x0  }
.LBB2_4:
0x7f: {  	s28 =	sadd.s32 $0x80, s25  }
0x80: {  	[sflag:s14] =	ssyncadd.s32 $0xFFFFC000;
	s29 =	smov.u32 s26;
	s30 =	sadd.s32 $0x400, s26  }
0x81: {  	[tilespmem:s18], [sflag:$0x2] =	stream.indirect.gather [hbm4b:s1+s16], $0x80, s28, s16, $0xb8;
	[tilespmem:$0x1E400] =	vst v63  }
0x82: {  	p0 =	sne.s32 s26, $0x4800;
	_ =	swait.ge [sflag:s19], $0x4000  }
0x83: {  	[sflag:s19] =	ssyncset.done $0x0  }
0x84: {  	s26 =	sadd.s32 $0x1400, s25;
	[sflag:s19] =	ssyncadd.s32 $0xFFFFC000  }
0x85: {  	[spmem:s2] =	stream.indirect.scatter.add.f32 [tilespmem:s17], [sflag:$0x3], $0x80, s26, s16, $0xb8;
	[tilespmem:$0x1E400] =	vst v63  }
0x86: {  	_ =	swait.ge [sflag:s14], $0x4000  }
0x87: {  	[sflag:s14] =	ssyncset.done $0x0  }
0x88: {  	s26 =	sadd.s32 $0x100, s25;
	[sflag:s14] =	ssyncadd.s32 $0xFFFFC000  }
0x89: {  	[tilespmem:s17], [sflag:$0x1] =	stream.indirect.gather [hbm4b:s1+s16], $0x80, s26, s16, $0xb8;
	[tilespmem:$0x1E400] =	vst v63  }
0x8a: {  	_ =	swait.ge [sflag:s20], $0x4000  }
.Ltmp1:
0x8b: {  	[sflag:s20] =	ssyncset.done $0x0;
	(pc) =	sbr.rel @p0 .LBB2_4-.Ltmp1, $4  }
0x8c: {  	s25 =	sadd.s32 $0x1480, s25;
	[sflag:s20] =	ssyncadd.s32 $0xFFFFC000  }
0x8d: {  	[spmem:s2] =	stream.indirect.scatter.add.f32 [tilespmem:s18], [sflag:$0x3], $0x80, s25, s16, $0xb8;
	[tilespmem:$0x1E400] =	vst v63  }
0x8e: {  	_ =	swait.ge [sflag:s14], $0x4000  }
0x8f: {  	s26 =	smov.u32 s30;
	s25 =	sshra.s32 s29, $0x2;
	[sflag:s14] =	ssyncset.done $0x0  }
0x90: {  	s26 =	sadd.s32 $0x80, s25;
	[sflag:s14] =	ssyncadd.s32 $0xFFFFC000  }
0x91: {  	[tilespmem:s18], [sflag:$0x2] =	stream.indirect.gather [hbm4b:s1+s16], $0x80, s26, s16, $0xb8;
	[tilespmem:$0x1E400] =	vst v63  }
0x92: {  	_ =	swait.ge [sflag:s19], $0x4000  }
0x93: {  	[sflag:s19] =	ssyncset.done $0x0  }
0x94: {  	s29 =	sadd.s32 $0x1400, s25;
	[sflag:s19] =	ssyncadd.s32 $0xFFFFC000  }
0x95: {  	[spmem:s2] =	stream.indirect.scatter.add.f32 [tilespmem:s17], [sflag:$0x3], $0x80, s29, s16, $0xb8;
	[tilespmem:$0x1E400] =	vst v63  }
0x96: {  	_ =	swait.ge [sflag:s14], $0x4000  }
0x97: {  	[sflag:s14] =	ssyncset.done $0x0  }
0x98: {  	s30 =	sadd.s32 $0x100, s25;
	[sflag:s14] =	ssyncadd.s32 $0xFFFFC000  }
0x99: {  	[tilespmem:s17], [sflag:$0x1] =	stream.indirect.gather [hbm4b:s1+s16], $0x80, s30, s16, $0xb8;
	[tilespmem:$0x1E400] =	vst v63  }
0x9a: {  	_ =	swait.ge [sflag:s20], $0x4000  }
0x9b: {  	[sflag:s20] =	ssyncset.done $0x0  }
0x9c: {  	s31 =	sadd.s32 $0x1480, s25;
	[sflag:s20] =	ssyncadd.s32 $0xFFFFC000  }
0x9d: {  	[spmem:s2] =	stream.indirect.scatter.add.f32 [tilespmem:s18], [sflag:$0x3], $0x80, s31, s16, $0xb8;
	[tilespmem:$0x1E400] =	vst v63  }
0x9e: {  	_ =	swait.ge [sflag:s14], $0x4000  }
0x9f: {  	[sflag:s14] =	ssyncset.done $0x0  }
0xa0: {  	[sflag:s14] =	ssyncadd.s32 $0xFFFFC000  }
0xa1: {  	[tilespmem:s18], [sflag:$0x2] =	stream.indirect.gather [hbm4b:s1+s16], $0x80, s21, s16, $0xb8;
	[tilespmem:$0x1E400] =	vst v63  }
0xa2: {  	_ =	swait.ge [sflag:s19], $0x4000  }
0xa3: {  	[sflag:s19] =	ssyncset.done $0x0  }
0xa4: {  	[sflag:s19] =	ssyncadd.s32 $0xFFFFC000  }
0xa5: {  	[spmem:s2] =	stream.indirect.scatter.add.f32 [tilespmem:s17], [sflag:$0x3], $0x80, s22, s16, $0xb8;
	[tilespmem:$0x1E400] =	vst v63  }
0xa6: {  	_ =	swait.ge [sflag:s14], $0x4000  }
0xa7: {  	[sflag:s14] =	ssyncset.done $0x0  }
0xa8: {  	[sflag:s14] =	ssyncadd.s32 $0xFFFFC000  }
0xa9: {  	[tilespmem:s17], [sflag:$0x1] =	stream.indirect.gather [hbm4b:s1+s16], $0x80, s4, s16, $0xb8;
	[tilespmem:$0x1E400] =	vst v63  }
0xaa: {  	_ =	swait.ge [sflag:s20], $0x4000  }
0xab: {  	[sflag:s20] =	ssyncset.done $0x0  }
0xac: {  	[sflag:s20] =	ssyncadd.s32 $0xFFFFC000  }
0xad: {  	[spmem:s2] =	stream.indirect.scatter.add.f32 [tilespmem:s18], [sflag:$0x3], $0x80, s23, s16, $0xb8;
	[tilespmem:$0x1E400] =	vst v63  }
0xae: {  	_ =	swait.ge [sflag:s14], $0x4000  }
0xaf: {  	[sflag:s14] =	ssyncset.done $0x0  }
0xb0: {  	[sflag:s14] =	ssyncadd.s32 $0xFFFFC000  }
0xb1: {  	_ =	swait.ge [sflag:s19], $0x4000  }
0xb2: {  	s24 =	sadd.s32 $0x1, s24;
	[sflag:s19] =	ssyncset.done $0x0  }
0xb3: {  	p0 =	sne.s32 s24, s8;
	[sflag:s19] =	ssyncadd.s32 $0xFFFFC000  }
.Ltmp2:
0xb4: {  	[bflag:$0x0] =	sbarrier.arrive $0xFFFF;
	(pc) =	sbr.rel @p0 .LBB2_1-.Ltmp2, $4  }
0xb5: {  	[hbm:s7], [sflag:s6] =	dma.local [spmem:s13], $0x2780  }
0xb6: {  	_ =	swait.ge [sflag:s14], $0x2780  }
0xb7: {  	[sflag:s14] =	ssyncset.done $0x0  }
0xb8: {  	[sflag:s14] =	ssyncadd.s32 $0xFFFFD880  }
0xb9: {  	_ =	sfence.sel $0x180000  }
0xba: {  	[bflag:$0x0] =	sbarrier.arrive $0xFFFF  }
0xbb: {  	p0 =	sne.s32 s3, $0x0;
	_ =	strace $0x90000047  }
0xbc: {  	s0 =	sadd.s32 @!p0 $0x100000, s0;
	[bflag:$0x2] =	sbarrier.arrive $0xFFFF  }
0xbd: {  	[sflag:s0] =	ssyncadd.tile.s32 @!p0 $0x1;
	_ =	shalt  }
.Lfunc_end2:
_tile_overlayer_lowered:
.L_overlay_start_2:
0xbe: {  	(tag) =	ssettag $0x2  }
0xbf: {  	s0 =	rddreg [dreg:$0x0];
	s2 =	stileid.u32  }
0xc0: {  	s1 =	rddreg [dreg:$0x1];
	p0 =	sne.s32 s2, $0x0  }
0xc1: {  	s3 =	rddreg [dreg:$0x2];
	[bflag:$0x3] =	sbarrier.arrive $0xFFFF;
	s2 =	simm.s32 @!p0 $0x1C03  }
0xc2: {  	[timem:s3], [sflag:s2] =	dma.local @!p0 [hbm:s0], s1  }
0xc3: {  	s0 =	simm.s32 @!p0 $0x3  }
0xc4: {  	_ =	swait.ge @!p0 [sflag:s0], s1  }
0xc5: {  	s1 =	ssub.s32 @!p0 $0x0, s1;
	[sflag:s0] =	ssyncset.done @!p0 $0x0  }
0xc6: {  	[sflag:s0] =	ssyncadd.s32 @!p0 s1  }
0xc7: {  	[bflag:$0x3] =	sbarrier.arrive $0xFFFF  }
0xc8: {  	_ =	shalt  }

// kernel: kernel.9.cloned.1.call-start
scs
__scs_entry_jumppad:
0x0: {  	(pc) =	sbr.rel $0x88, $3  }
0x1: {  	(tag) =	ssettag $0x0;
	lr =	simm.s32 $0x1  }
0x2: {  	[smem:$0x3F8E] =	sst lr;
	_ =	strace $0xD0000000  }
0x3: {  	_ = 	snop  }
0x4: {  	_ = 	snop  }
0x5: {  	_ = 	snop  }
0x6: {  	_ = 	snop  }
0x7: {  	_ = 	snop  }
__scs_overlays_trampoline_lowered:
0x8: {  	[smem:$0x3F9D] =	sst s0  }
0x9: {  	[smem:$0x3F9E] =	sst s1  }
0xa: {  	[smem:$0x3F9F] =	sst s2  }
0xb: {  	[smem:$0x3FA0] =	sst s3  }
0xc: {  	[smem:$0x3FA1] =	sst s4  }
0xd: {  	[smem:$0x3FA2] =	sst s5  }
0xe: {  	[smem:$0x3FA3] =	sst s6  }
0xf: {  	[smem:$0x3FA4] =	sst s7  }
0x10: {  	[smem:$0x3FA5] =	sst s8  }
0x11: {  	[smem:$0x3FA6] =	sst s9;
	s0 =	simm.s32 @!p0 $0x0  }
0x12: {  	s1 =	sld [smem:$0x3F8C];
	s0 =	simm.s32 @p0 $0x1  }
0x13: {  	[smem:$0x3FA7] =	sst s0;
	s0 =	simm.s32 @!p1 $0x0  }
0x14: {  	s2 =	sld [smem:$0x3F8B];
	s0 =	simm.s32 @p1 $0x1  }
0x15: {  	[smem:$0x3FA8] =	sst s0;
	s0 =	simm.s32 @!p2 $0x0  }
0x16: {  	s3 =	sld [smem:$0x3FDB];
	s0 =	simm.s32 @p2 $0x1  }
0x17: {  	s4 =	simm.s32 $0x1BF5;
	[smem:$0x3FAA] =	sst s0  }
0x18: {  	s0 =	sld [smem:$0x3F8D];
	_ =	swait.ge [sflag:s4], $0x0  }
0x19: {  	s7 =	sld [smem:$0x3F8E]  }
0x1a: {  	s8 =	sadd.s32 $0xFFFFE003, lr  }
0x1b: {  	s9 =	sadd.s32 $0xFFFFFEF7, lr;
	s5 =	simm.s32 $0xFFFFFFFF;
	p2 =	slt.u32 s8, $0xFFFFF086  }
0x1c: {  	p1 =	slt.u32 s9, $0xF7A;
	s5 =	simm.s32 @!p2 $0x0  }
0x1d: {  	s5 =	simm.s32 @p1 $0x1;
	p0 =	seq.s32 s7, s2  }
0x1e: {  	s7 =	smul.u32 @!p0 $0xF7A, s2;
	p2 =	seq.s32 @!p0 s5, $0x0  }
0x1f: {  	s9 =	smul.u32 $0xF7A, s1;
	s8 =	simm.s32 @!p0 $0x1BF5;
	p2 =	por !p2, p0  }
0x20: {  	[sflag:s8] =	ssyncset.s32 @!p0 $0xFFFFF086;
	s6 =	sadd.s32 @!p0 s3, s7;
	s7 =	simm.s32 @!p0 $0x108  }
0x21: {  	s3 =	sadd.s32 s3, s9;
	s6 =	sadd.s32 @!p0 $0x88, s6;
	s7 =	simm.s32 @p2 $0x1082  }
0x22: {  	[simem:s7], [sflag:s8] =	dma.local @!p0 [hbm:s6], $0xF7A  }
0x23: {  	s9 =	sor.u32 $0xD0000000, s2;
	s6 =	simm.s32 $0x108;
	_ =	swait.ge @!p0 [sflag:s8], $0x0  }
0x24: {  	s3 =	sadd.s32 $0x88, s3;
	s6 =	simm.s32 @!p1 $0x1082;
	[sflag:s4] =	ssyncset.s32 $0xFFFFF086  }
0x25: {  	[simem:s6], [sflag:s4] =	dma.local [hbm:s3], $0xF7A  }
0x26: {  	[smem:$0x3F8E] =	sst s1;
	(tag) =	ssettag s2;
	_ =	strace s9  }
0x27: {  	s1 =	sld [smem:$0x3F9E]  }
0x28: {  	s2 =	sld [smem:$0x3F9F]  }
0x29: {  	s4 =	sld [smem:$0x3FA1]  }
0x2a: {  	p0 =	seq.s32 s5, $0x0;
	s5 =	sld [smem:$0x3FA2]  }
0x2b: {  	s6 =	sld [smem:$0x3FA3]  }
0x2c: {  	s7 =	sld [smem:$0x3FA4]  }
0x2d: {  	s3 =	simm.s32 $0x108;
	s8 =	sld [smem:$0x3FA5]  }
0x2e: {  	s3 =	simm.s32 @!p0 $0x1082;
	s9 =	sld [smem:$0x3FA6]  }
0x2f: {  	lr =	sadd.s32 s0, s3;
	s0 =	sld [smem:$0x3F9D]  }
0x30: {  	s3 =	sld [smem:$0x3FA0]  }
0x31: {  	[smem:$0x3FA9] =	sst s10  }
0x32: {  	s10 =	sld [smem:$0x3FA7];
	_ =	sdelay $0x3  }
0x33: {  	p0 =	seq.s32 s10, $0x1;
	s10 =	sld [smem:$0x3FA9];
	_ =	sdelay $0x3  }
0x34: {  	[smem:$0x3FA9] =	sst s10  }
0x35: {  	s10 =	sld [smem:$0x3FA8];
	_ =	sdelay $0x3  }
0x36: {  	p1 =	seq.s32 s10, $0x1;
	s10 =	sld [smem:$0x3FA9];
	_ =	sdelay $0x3  }
0x37: {  	[smem:$0x3FA9] =	sst s10  }
0x38: {  	s10 =	sld [smem:$0x3FAA]  }
0x39: {  	_ = 	snop;
	(pc) =	sbr.ind lr, $3  }
0x3a: {  	_ = 	snop  }
0x3b: {  	_ = 	snop  }
0x3c: {  	p2 =	seq.s32 s10, $0x1;
	s10 =	sld [smem:$0x3FA9]  }
0x3d: {  	_ =	shalt  }
0x3e: {  	_ =	shalt  }
0x3f: {  	_ =	shalt  }
0x40: {  	_ =	shalt  }
0x41: {  	_ =	shalt  }
0x42: {  	_ =	shalt  }
0x43: {  	_ =	shalt  }
0x44: {  	_ =	shalt  }
0x45: {  	_ =	shalt  }
0x46: {  	_ =	shalt  }
0x47: {  	_ =	shalt  }
0x48: {  	_ =	shalt  }
0x49: {  	_ =	shalt  }
0x4a: {  	_ =	shalt  }
0x4b: {  	_ =	shalt  }
0x4c: {  	_ =	shalt  }
0x4d: {  	_ =	shalt  }
0x4e: {  	_ =	shalt  }
0x4f: {  	_ =	shalt  }
0x50: {  	_ =	shalt  }
0x51: {  	_ =	shalt  }
0x52: {  	_ =	shalt  }
0x53: {  	_ =	shalt  }
0x54: {  	_ =	shalt  }
0x55: {  	_ =	shalt  }
0x56: {  	_ =	shalt  }
0x57: {  	_ =	shalt  }
0x58: {  	_ =	shalt  }
0x59: {  	_ =	shalt  }
0x5a: {  	_ =	shalt  }
0x5b: {  	_ =	shalt  }
0x5c: {  	_ =	shalt  }
0x5d: {  	_ =	shalt  }
0x5e: {  	_ =	shalt  }
0x5f: {  	_ =	shalt  }
0x60: {  	_ =	shalt  }
0x61: {  	_ =	shalt  }
0x62: {  	_ =	shalt  }
0x63: {  	_ =	shalt  }
0x64: {  	_ =	shalt  }
0x65: {  	_ =	shalt  }
0x66: {  	_ =	shalt  }
0x67: {  	_ =	shalt  }
0x68: {  	_ =	shalt  }
0x69: {  	_ =	shalt  }
0x6a: {  	_ =	shalt  }
0x6b: {  	_ =	shalt  }
0x6c: {  	_ =	shalt  }
0x6d: {  	_ =	shalt  }
0x6e: {  	_ =	shalt  }
0x6f: {  	_ =	shalt  }
0x70: {  	_ =	shalt  }
0x71: {  	_ =	shalt  }
0x72: {  	_ =	shalt  }
0x73: {  	_ =	shalt  }
0x74: {  	_ =	shalt  }
0x75: {  	_ =	shalt  }
0x76: {  	_ =	shalt  }
0x77: {  	_ =	shalt  }
0x78: {  	_ =	shalt  }
0x79: {  	_ =	shalt  }
0x7a: {  	_ =	shalt  }
0x7b: {  	_ =	shalt  }
0x7c: {  	_ =	shalt  }
0x7d: {  	_ =	shalt  }
0x7e: {  	_ =	shalt  }
0x7f: {  	_ =	shalt  }
0x80: {  	_ =	shalt  }
0x81: {  	_ =	shalt  }
0x82: {  	_ =	shalt  }
0x83: {  	_ =	shalt  }
0x84: {  	_ =	shalt  }
0x85: {  	_ =	shalt  }
0x86: {  	_ =	shalt  }
0x87: {  	_ =	shalt  }
.Lfunc_end0:
.L_simem_size_0:
called_computation.1_lowered:
.L_overlay_start_0:
0x88: {  	s2 =	sld [smem:$0x3FD9]  }
0x89: {  	s3 =	sld [smem:$0x3FFE];
	_ =	sdelay $0x1  }
0x8a: {  	s1 =	srdreg.scid  }
0x8b: {  	s0 =	sand.u32 $0x1, s1  }
0x8c: {  	s16 =	sshll.u32 s0, $0xA;
	s2 =	sadd.s32 s3, s2  }
0x8d: {  	s2 =	sadd.s32 s2, s16  }
0x8e: {  	[smem:$0x3FB5] =	sst s2  }
0x8f: {  	_ = 	snop  }
0x90: {  	(tm) =	ssettm $0x1  }
0x91: {  	s17 =	sld [smem:$0x3FFB];
	_ =	sdelay $0x3  }
0x92: {  	_ =	strace s17  }
0x93: {  	s2 =	sld [smem:$0x3FFC];
	_ =	sdelay $0x3  }
0x94: {  	_ =	strace s2  }
0x95: {  	s2 =	sld [smem:$0x3FFD];
	_ =	sdelay $0x3  }
0x96: {  	_ =	strace s2  }
0x97: {  	_ =	strace $0x8FFFFFFF  }
0x98: {  	s18 =	sld [smem:$0x3FDB];
	_ =	sdelay $0x1  }
0x99: {  	s19 =	simm.s32 $_scs_section_size  }
0x9a: {  	s4 =	simm.s32 $_size__tile_overlayer_lowered;
	s5 =	simm.s32 $_tile_overlayer_lowered  }
0x9b: {  	s22 =	simm.s32 $0x1BFF;
	s21 =	sshll.u32 s5, $0x1;
	s2 =	sadd.s32 s19, s18  }
0x9c: {  	s6 =	simm.s32 $0x0;
	s20 =	sshll.u32 s4, $0x1;
	s4 =	sadd.s32 s21, s2  }
0x9d: {  	[timem:s6], [sflag:s22] =	dma.local [hbm:s4], s20  }
0x9e: {  	_ =	swait.ge [sflag:s22], s20  }
0x9f: {  	s3 =	ssub.s32 $0x0, s20;
	[sflag:s22] =	ssyncset.done $0x0  }
0xa0: {  	[sflag:s22] =	ssyncadd.s32 s3;
	_ =	sdelay $0x1  }
0xa1: {  	s23 =	simm.s32 $0x1B8B  }
0xa2: {  	_ =	swait.ge [sflag:s23], $0x1  }
0xa3: {  	[sflag:s23] =	ssyncset.done $0x0  }
0xa4: {  	s25 =	simm.s32 $0x1B8E;
	s24 =	sld [smem:$0x3FFE];
	[sflag:s23] =	ssyncadd.s32 $0xFFFFFFFF  }
0xa5: {  	s26 =	simm.s32 $execute0_lowered;
	[smem:$0x3FD2] =	sst s25  }
0xa6: {  	s4 =	sshll.u32 s26, $0x1;
	_ =	strace $0x80000049;
	[dreg:$0x1] =	wrdreg $0xFFFFFFFF  }
0xa7: {  	s28 =	simm.s32 $_size_execute0_lowered;
	s2 =	sadd.s32 s2, s4;
	[dreg:$0x0] =	wrdreg $0x0  }
0xa8: {  	s4 =	sshll.u32 s28, $0x1;
	[dreg:$0x2] =	wrdreg s2  }
0xa9: {  	[dreg:$0x3] =	wrdreg s4  }
0xaa: {  	[dreg:$0x4] =	wrdreg $0xC0  }
0xab: {  	_ =	task [dreg:s6], $0x5FFFF  }
0xac: {  	[dreg:$0x1] =	wrdreg $0xFFFFFFFF  }
0xad: {  	[dreg:$0x0] =	wrdreg $0x60  }
0xae: {  	[dreg:$0x2] =	wrdreg s24  }
0xaf: {  	[dreg:$0x3] =	wrdreg $0xA8000  }
0xb0: {  	[dreg:$0x4] =	wrdreg $0x9  }
0xb1: {  	_ =	task.clear_ibuf [dreg:s6], $0x5FFFF;
	_ =	strace $0x90000049  }
0xb2: {  	s29 =	simm.s32 $0x9;
	_ =	strace $0x8000004B  }
0xb3: {  	_ =	swait.ge [sflag:s29], $0x1  }
0xb4: {  	[sflag:s29] =	ssyncadd.s32 $0xFFFFFFFF  }
0xb5: {  	_ =	strace $0x9000004B  }
0xb6: {  	_ =	sfence  }
0xb7: {  	s30 =	sld [smem:$0x0];
	_ =	sdelay $0x2  }
0xb8: {  	s31 =	sshll.u32 s1, $0xD;
	s1 =	sshrl.u32 s1, $0x2  }
0xb9: {  	s3 =	sand.u32 $0x4000, s31;
	s1 =	sadd.s32 s1, s30  }
0xba: {  	s0 =	sor.u32 s3, s0;
	s1 =	sshll.u32 s1, $0x11  }
0xbb: {  	s0 =	sor.u32 s1, s0  }
0xbc: {  	s0 =	sadd.s32 $0x8F2B, s0  }
0xbd: {  	[sflag:s0] =	ssyncadd.remote.s32 $0x1  }
0xbe: {  	_ =	sfence.sel $0xFFFF  }
0xbf: {  	[dreg:$0x0] =	wrdreg $0xFFFFFFFF;
	(pc) =	sbr.abs _section_cstart, $3  }
0xc0: {  	[dreg:$0x1] =	wrdreg $0xFFFFFFFF  }
0xc1: {  	_ =	task.clear_ibuf [dreg:s6], $0x2FFFF;
	_ =	strace $0x9FFFFFFF  }
0xc2: {  	(tm) =	ssettm $0x7FFFFFFF  }
0xc3: {  	_ =	shalt  }
tec
execute0_lowered:
.L_overlay_start_1:
0x0: {  	(tag) =	ssettag $0x1  }
0x1: {  	s6 =	rddreg [dreg:$0x0]  }
0x2: {  	s1 =	rddreg [dreg:$0x1]  }
0x3: {  	s2 =	srdreg.scid;
	s0 =	rddreg [dreg:$0x2]  }
0x4: {  	s3 =	simm.s32 $0x0;
	s15 =	simm.s32 $0x1400;
	s16 =	simm.s32 $0x80  }
0x5: {  	s17 =	simm.s32 $0x2800;
	s18 =	simm.s32 $0x6800;
	s19 =	simm.s32 $0x1  }
0x6: {  	s20 =	simm.s32 $0x2;
	s21 =	simm.s32 $0x1380;
	s22 =	simm.s32 $0x2700  }
0x7: {  	s23 =	simm.s32 $0x2780;
	s24 =	simm.s32 $0x0;
	s7 =	sand.u32 $0x1, s2  }
0x8: {  	s2 =	stileid.u32;
	[smem:$0x7FF] =	sst s3;
	s4 =	sadd.s32 $0x19A00, s6  }
0x9: {  	s11 =	sadd.s32 $0x3200, s6;
	s12 =	sadd.s32 $0xD200, s6;
	s8 =	smul.u32 $0x13C000, s7  }
0xa: {  	s5 =	sadd.s32 $0x17200, s6;
	s9 =	smul.u32 $0x13C00, s2;
	_ =	strace $0x8000004A  }
0xb: {  	s26 =	sshll.u32 s2, $0x1;
	s10 =	smul.u32 $0x4F000, s2;
	s28 =	ssub.s32 $0x2, s7  }
0xc: {  	s30 =	sshll.u32 s2, $0x6;
	s7 =	sor.u32 s7, s26;
	s29 =	sshrl.u32 s28, $0x1  }
0xd: {  	s8 =	sadd.s32 s9, s8;
	s10 =	sshrl.u32 s10, $0x2;
	s13 =	smul.u32 $0x2800, s7  }
0xe: {  	s9 =	ssub.s32 s28, s29;
	s8 =	sshrl.u32 s8, $0x3;
	s14 =	sadd.s32 s10, s1  }
0xf: {  	s8 =	sadd.s32 s8, s6;
	s6 =	sor.u32 $0x1C03, s30;
	s31 =	sshrl.u32 s13, $0x3  }
0x10: {  	s7 =	sadd.s32 $0x40C00, s8;
	s8 =	smax.u32 s9, $0x1;
	s13 =	sadd.s32 $0x280, s31  }
0x11: {  	s9 =	sadd.s32 s11, s31;
	s10 =	sadd.s32 s12, s31;
	s11 =	sadd.s32 s11, s13  }
0x12: {  	s12 =	sadd.s32 s12, s13;
	s13 =	sshrl.u32 s14, $0x3;
	s14 =	simm.s32 $0x3  }
.LBB2_1:
0x13: {  	[spmem:s13], [sflag:s6] =	dma.local [hbm:s5], $0x2780  }
0x14: {  	_ =	swait.ge [sflag:s14], $0x2780  }
0x15: {  	[sflag:s14] =	ssyncset.done $0x0  }
0x16: {  	[sflag:s14] =	ssyncadd.s32 $0xFFFFD880  }
0x17: {  	[bflag:$0x0] =	sbarrier.arrive $0xFFFF  }
0x18: {  	[tilespmem:s3], [sflag:$0x3] =	stream.linear.gather [hbm4b:s9+s3], $0x1400, $0x38;
	[tilespmem:$0x1E400] =	vst v63  }
0x19: {  	_ =	swait.ge [sflag:s14], $0x1400  }
0x1a: {  	[sflag:s14] =	ssyncset.done $0x0  }
0x1b: {  	[sflag:s14] =	ssyncadd.s32 $0xFFFFEC00  }
0x1c: {  	[tilespmem:s15], [sflag:$0x3] =	stream.linear.gather [hbm4b:s10+s3], $0x1400, $0x38;
	[tilespmem:$0x1E400] =	vst v63  }
0x1d: {  	_ =	swait.ge [sflag:s14], $0x1400  }
0x1e: {  	[sflag:s14] =	ssyncset.done $0x0  }
0x1f: {  	[sflag:s14] =	ssyncadd.s32 $0xFFFFEC00  }
0x20: {  	[tilespmem:s17], [sflag:$0x1] =	stream.indirect.gather [hbm4b:s4+s16], $0x80, s3, s16, $0xb8;
	[tilespmem:$0x1E400] =	vst v63  }
0x21: {  	s25 =	simm.s32 $0x80  }
0x22: {  	[tilespmem:s18], [sflag:$0x2] =	stream.indirect.gather [hbm4b:s4+s16], $0x80, s25, s16, $0xb8;
	[tilespmem:$0x1E400] =	vst v63  }
0x23: {  	_ =	swait.ge [sflag:s19], $0x4000  }
0x24: {  	[sflag:s19] =	ssyncset.done $0x0  }
0x25: {  	s29 =	simm.s32 $0x1400;
	[sflag:s19] =	ssyncadd.s32 $0xFFFFC000  }
0x26: {  	[spmem:s1] =	stream.indirect.scatter.add.f32 [tilespmem:s17], [sflag:$0x3], $0x80, s29, s16, $0xb8;
	[tilespmem:$0x1E400] =	vst v63  }
0x27: {  	_ =	swait.ge [sflag:s14], $0x4000  }
0x28: {  	[sflag:s14] =	ssyncset.done $0x0  }
0x29: {  	s30 =	simm.s32 $0x100;
	[sflag:s14] =	ssyncadd.s32 $0xFFFFC000  }
0x2a: {  	[tilespmem:s17], [sflag:$0x1] =	stream.indirect.gather [hbm4b:s4+s16], $0x80, s30, s16, $0xb8;
	[tilespmem:$0x1E400] =	vst v63  }
0x2b: {  	_ =	swait.ge [sflag:s20], $0x4000  }
0x2c: {  	[sflag:s20] =	ssyncset.done $0x0  }
0x2d: {  	s31 =	simm.s32 $0x1480;
	[sflag:s20] =	ssyncadd.s32 $0xFFFFC000  }
0x2e: {  	[spmem:s1] =	stream.indirect.scatter.add.f32 [tilespmem:s18], [sflag:$0x3], $0x80, s31, s16, $0xb8;
	[tilespmem:$0x1E400] =	vst v63  }
0x2f: {  	_ =	swait.ge [sflag:s14], $0x4000  }
0x30: {  	s26 =	simm.s32 $0x800;
	s25 =	simm.s32 $0x100;
	[sflag:s14] =	ssyncset.done $0x0  }
.LBB2_2:
0x31: {  	s28 =	sadd.s32 $0x80, s25  }
0x32: {  	[sflag:s14] =	ssyncadd.s32 $0xFFFFC000;
	s29 =	smov.u32 s26;
	s30 =	sadd.s32 $0x400, s26  }
0x33: {  	[tilespmem:s18], [sflag:$0x2] =	stream.indirect.gather [hbm4b:s4+s16], $0x80, s28, s16, $0xb8;
	[tilespmem:$0x1E400] =	vst v63  }
0x34: {  	p0 =	sne.s32 s26, $0x4800;
	_ =	swait.ge [sflag:s19], $0x4000  }
0x35: {  	[sflag:s19] =	ssyncset.done $0x0  }
0x36: {  	s26 =	sadd.s32 $0x1400, s25;
	[sflag:s19] =	ssyncadd.s32 $0xFFFFC000  }
0x37: {  	[spmem:s1] =	stream.indirect.scatter.add.f32 [tilespmem:s17], [sflag:$0x3], $0x80, s26, s16, $0xb8;
	[tilespmem:$0x1E400] =	vst v63  }
0x38: {  	_ =	swait.ge [sflag:s14], $0x4000  }
0x39: {  	[sflag:s14] =	ssyncset.done $0x0  }
0x3a: {  	s26 =	sadd.s32 $0x100, s25;
	[sflag:s14] =	ssyncadd.s32 $0xFFFFC000  }
0x3b: {  	[tilespmem:s17], [sflag:$0x1] =	stream.indirect.gather [hbm4b:s4+s16], $0x80, s26, s16, $0xb8;
	[tilespmem:$0x1E400] =	vst v63  }
0x3c: {  	_ =	swait.ge [sflag:s20], $0x4000  }
.Ltmp0:
0x3d: {  	[sflag:s20] =	ssyncset.done $0x0;
	(pc) =	sbr.rel @p0 .LBB2_2-.Ltmp0, $4  }
0x3e: {  	s25 =	sadd.s32 $0x1480, s25;
	[sflag:s20] =	ssyncadd.s32 $0xFFFFC000  }
0x3f: {  	[spmem:s1] =	stream.indirect.scatter.add.f32 [tilespmem:s18], [sflag:$0x3], $0x80, s25, s16, $0xb8;
	[tilespmem:$0x1E400] =	vst v63  }
0x40: {  	_ =	swait.ge [sflag:s14], $0x4000  }
0x41: {  	s26 =	smov.u32 s30;
	s25 =	sshra.s32 s29, $0x2;
	[sflag:s14] =	ssyncset.done $0x0  }
0x42: {  	s26 =	sadd.s32 $0x80, s25;
	[sflag:s14] =	ssyncadd.s32 $0xFFFFC000  }
0x43: {  	[tilespmem:s18], [sflag:$0x2] =	stream.indirect.gather [hbm4b:s4+s16], $0x80, s26, s16, $0xb8;
	[tilespmem:$0x1E400] =	vst v63  }
0x44: {  	_ =	swait.ge [sflag:s19], $0x4000  }
0x45: {  	[sflag:s19] =	ssyncset.done $0x0  }
0x46: {  	s29 =	sadd.s32 $0x1400, s25;
	[sflag:s19] =	ssyncadd.s32 $0xFFFFC000  }
0x47: {  	[spmem:s1] =	stream.indirect.scatter.add.f32 [tilespmem:s17], [sflag:$0x3], $0x80, s29, s16, $0xb8;
	[tilespmem:$0x1E400] =	vst v63  }
0x48: {  	_ =	swait.ge [sflag:s14], $0x4000  }
0x49: {  	[sflag:s14] =	ssyncset.done $0x0  }
0x4a: {  	s30 =	sadd.s32 $0x100, s25;
	[sflag:s14] =	ssyncadd.s32 $0xFFFFC000  }
0x4b: {  	[tilespmem:s17], [sflag:$0x1] =	stream.indirect.gather [hbm4b:s4+s16], $0x80, s30, s16, $0xb8;
	[tilespmem:$0x1E400] =	vst v63  }
0x4c: {  	_ =	swait.ge [sflag:s20], $0x4000  }
0x4d: {  	[sflag:s20] =	ssyncset.done $0x0  }
0x4e: {  	s31 =	sadd.s32 $0x1480, s25;
	[sflag:s20] =	ssyncadd.s32 $0xFFFFC000  }
0x4f: {  	[spmem:s1] =	stream.indirect.scatter.add.f32 [tilespmem:s18], [sflag:$0x3], $0x80, s31, s16, $0xb8;
	[tilespmem:$0x1E400] =	vst v63  }
0x50: {  	_ =	swait.ge [sflag:s14], $0x4000  }
0x51: {  	[sflag:s14] =	ssyncset.done $0x0  }
0x52: {  	[sflag:s14] =	ssyncadd.s32 $0xFFFFC000  }
0x53: {  	[tilespmem:s18], [sflag:$0x2] =	stream.indirect.gather [hbm4b:s4+s16], $0x80, s21, s16, $0xb8;
	[tilespmem:$0x1E400] =	vst v63  }
0x54: {  	_ =	swait.ge [sflag:s19], $0x4000  }
0x55: {  	[sflag:s19] =	ssyncset.done $0x0  }
0x56: {  	[sflag:s19] =	ssyncadd.s32 $0xFFFFC000  }
0x57: {  	[spmem:s1] =	stream.indirect.scatter.add.f32 [tilespmem:s17], [sflag:$0x3], $0x80, s22, s16, $0xb8;
	[tilespmem:$0x1E400] =	vst v63  }
0x58: {  	_ =	swait.ge [sflag:s14], $0x4000  }
0x59: {  	[sflag:s14] =	ssyncset.done $0x0  }
0x5a: {  	s26 =	simm.s32 $0x0;
	[sflag:s14] =	ssyncadd.s32 $0xFFFFC000  }
0x5b: {  	[tilespmem:s17], [sflag:$0x1] =	stream.indirect.gather [hbm4b:s4+s16], $0x80, s26, s16, $0xb8;
	[tilespmem:$0x1E400] =	vst v63  }
0x5c: {  	_ =	swait.ge [sflag:s20], $0x4000  }
0x5d: {  	[sflag:s20] =	ssyncset.done $0x0  }
0x5e: {  	[sflag:s20] =	ssyncadd.s32 $0xFFFFC000  }
0x5f: {  	[spmem:s1] =	stream.indirect.scatter.add.f32 [tilespmem:s18], [sflag:$0x3], $0x80, s23, s16, $0xb8;
	[tilespmem:$0x1E400] =	vst v63  }
0x60: {  	_ =	swait.ge [sflag:s14], $0x4000  }
0x61: {  	[sflag:s14] =	ssyncset.done $0x0  }
0x62: {  	[sflag:s14] =	ssyncadd.s32 $0xFFFFC000  }
0x63: {  	_ =	swait.ge [sflag:s19], $0x4000  }
0x64: {  	[sflag:s19] =	ssyncset.done $0x0  }
0x65: {  	[sflag:s19] =	ssyncadd.s32 $0xFFFFC000  }
0x66: {  	[tilespmem:s26], [sflag:$0x3] =	stream.linear.gather [hbm4b:s11+s26], $0x1400, $0x38;
	[tilespmem:$0x1E400] =	vst v63  }
0x67: {  	_ =	swait.ge [sflag:s14], $0x1400  }
0x68: {  	[sflag:s14] =	ssyncset.done $0x0  }
0x69: {  	[sflag:s14] =	ssyncadd.s32 $0xFFFFEC00  }
0x6a: {  	[tilespmem:s15], [sflag:$0x3] =	stream.linear.gather [hbm4b:s12+s26], $0x1400, $0x38;
	[tilespmem:$0x1E400] =	vst v63  }
0x6b: {  	_ =	swait.ge [sflag:s14], $0x1400  }
0x6c: {  	[sflag:s14] =	ssyncset.done $0x0  }
0x6d: {  	[sflag:s14] =	ssyncadd.s32 $0xFFFFEC00  }
0x6e: {  	[tilespmem:s17], [sflag:$0x1] =	stream.indirect.gather [hbm4b:s4+s16], $0x80, s26, s16, $0xb8;
	[tilespmem:$0x1E400] =	vst v63  }
0x6f: {  	s28 =	simm.s32 $0x80  }
0x70: {  	[tilespmem:s18], [sflag:$0x2] =	stream.indirect.gather [hbm4b:s4+s16], $0x80, s28, s16, $0xb8;
	[tilespmem:$0x1E400] =	vst v63  }
0x71: {  	_ =	swait.ge [sflag:s19], $0x4000  }
0x72: {  	[sflag:s19] =	ssyncset.done $0x0  }
0x73: {  	s29 =	simm.s32 $0x1400;
	[sflag:s19] =	ssyncadd.s32 $0xFFFFC000  }
0x74: {  	[spmem:s1] =	stream.indirect.scatter.add.f32 [tilespmem:s17], [sflag:$0x3], $0x80, s29, s16, $0xb8;
	[tilespmem:$0x1E400] =	vst v63  }
0x75: {  	_ =	swait.ge [sflag:s14], $0x4000  }
0x76: {  	[sflag:s14] =	ssyncset.done $0x0  }
0x77: {  	s30 =	simm.s32 $0x100;
	[sflag:s14] =	ssyncadd.s32 $0xFFFFC000  }
0x78: {  	[tilespmem:s17], [sflag:$0x1] =	stream.indirect.gather [hbm4b:s4+s16], $0x80, s30, s16, $0xb8;
	[tilespmem:$0x1E400] =	vst v63  }
0x79: {  	_ =	swait.ge [sflag:s20], $0x4000  }
0x7a: {  	[sflag:s20] =	ssyncset.done $0x0  }
0x7b: {  	s31 =	simm.s32 $0x1480;
	[sflag:s20] =	ssyncadd.s32 $0xFFFFC000  }
0x7c: {  	[spmem:s1] =	stream.indirect.scatter.add.f32 [tilespmem:s18], [sflag:$0x3], $0x80, s31, s16, $0xb8;
	[tilespmem:$0x1E400] =	vst v63  }
0x7d: {  	_ =	swait.ge [sflag:s14], $0x4000  }
0x7e: {  	s25 =	simm.s32 $0x100;
	s26 =	simm.s32 $0x800;
	[sflag:s14] =	ssyncset.done $0x0  }
.LBB2_4:
0x7f: {  	s28 =	sadd.s32 $0x80, s25  }
0x80: {  	[sflag:s14] =	ssyncadd.s32 $0xFFFFC000;
	s29 =	smov.u32 s26;
	s30 =	sadd.s32 $0x400, s26  }
0x81: {  	[tilespmem:s18], [sflag:$0x2] =	stream.indirect.gather [hbm4b:s4+s16], $0x80, s28, s16, $0xb8;
	[tilespmem:$0x1E400] =	vst v63  }
0x82: {  	p0 =	sne.s32 s26, $0x4800;
	_ =	swait.ge [sflag:s19], $0x4000  }
0x83: {  	[sflag:s19] =	ssyncset.done $0x0  }
0x84: {  	s26 =	sadd.s32 $0x1400, s25;
	[sflag:s19] =	ssyncadd.s32 $0xFFFFC000  }
0x85: {  	[spmem:s1] =	stream.indirect.scatter.add.f32 [tilespmem:s17], [sflag:$0x3], $0x80, s26, s16, $0xb8;
	[tilespmem:$0x1E400] =	vst v63  }
0x86: {  	_ =	swait.ge [sflag:s14], $0x4000  }
0x87: {  	[sflag:s14] =	ssyncset.done $0x0  }
0x88: {  	s26 =	sadd.s32 $0x100, s25;
	[sflag:s14] =	ssyncadd.s32 $0xFFFFC000  }
0x89: {  	[tilespmem:s17], [sflag:$0x1] =	stream.indirect.gather [hbm4b:s4+s16], $0x80, s26, s16, $0xb8;
	[tilespmem:$0x1E400] =	vst v63  }
0x8a: {  	_ =	swait.ge [sflag:s20], $0x4000  }
.Ltmp1:
0x8b: {  	[sflag:s20] =	ssyncset.done $0x0;
	(pc) =	sbr.rel @p0 .LBB2_4-.Ltmp1, $4  }
0x8c: {  	s25 =	sadd.s32 $0x1480, s25;
	[sflag:s20] =	ssyncadd.s32 $0xFFFFC000  }
0x8d: {  	[spmem:s1] =	stream.indirect.scatter.add.f32 [tilespmem:s18], [sflag:$0x3], $0x80, s25, s16, $0xb8;
	[tilespmem:$0x1E400] =	vst v63  }
0x8e: {  	_ =	swait.ge [sflag:s14], $0x4000  }
0x8f: {  	s26 =	smov.u32 s30;
	s25 =	sshra.s32 s29, $0x2;
	[sflag:s14] =	ssyncset.done $0x0  }
0x90: {  	s26 =	sadd.s32 $0x80, s25;
	[sflag:s14] =	ssyncadd.s32 $0xFFFFC000  }
0x91: {  	[tilespmem:s18], [sflag:$0x2] =	stream.indirect.gather [hbm4b:s4+s16], $0x80, s26, s16, $0xb8;
	[tilespmem:$0x1E400] =	vst v63  }
0x92: {  	_ =	swait.ge [sflag:s19], $0x4000  }
0x93: {  	[sflag:s19] =	ssyncset.done $0x0  }
0x94: {  	s29 =	sadd.s32 $0x1400, s25;
	[sflag:s19] =	ssyncadd.s32 $0xFFFFC000  }
0x95: {  	[spmem:s1] =	stream.indirect.scatter.add.f32 [tilespmem:s17], [sflag:$0x3], $0x80, s29, s16, $0xb8;
	[tilespmem:$0x1E400] =	vst v63  }
0x96: {  	_ =	swait.ge [sflag:s14], $0x4000  }
0x97: {  	[sflag:s14] =	ssyncset.done $0x0  }
0x98: {  	s30 =	sadd.s32 $0x100, s25;
	[sflag:s14] =	ssyncadd.s32 $0xFFFFC000  }
0x99: {  	[tilespmem:s17], [sflag:$0x1] =	stream.indirect.gather [hbm4b:s4+s16], $0x80, s30, s16, $0xb8;
	[tilespmem:$0x1E400] =	vst v63  }
0x9a: {  	_ =	swait.ge [sflag:s20], $0x4000  }
0x9b: {  	[sflag:s20] =	ssyncset.done $0x0  }
0x9c: {  	s31 =	sadd.s32 $0x1480, s25;
	[sflag:s20] =	ssyncadd.s32 $0xFFFFC000  }
0x9d: {  	[spmem:s1] =	stream.indirect.scatter.add.f32 [tilespmem:s18], [sflag:$0x3], $0x80, s31, s16, $0xb8;
	[tilespmem:$0x1E400] =	vst v63  }
0x9e: {  	_ =	swait.ge [sflag:s14], $0x4000  }
0x9f: {  	[sflag:s14] =	ssyncset.done $0x0  }
0xa0: {  	[sflag:s14] =	ssyncadd.s32 $0xFFFFC000  }
0xa1: {  	[tilespmem:s18], [sflag:$0x2] =	stream.indirect.gather [hbm4b:s4+s16], $0x80, s21, s16, $0xb8;
	[tilespmem:$0x1E400] =	vst v63  }
0xa2: {  	_ =	swait.ge [sflag:s19], $0x4000  }
0xa3: {  	[sflag:s19] =	ssyncset.done $0x0  }
0xa4: {  	[sflag:s19] =	ssyncadd.s32 $0xFFFFC000  }
0xa5: {  	[spmem:s1] =	stream.indirect.scatter.add.f32 [tilespmem:s17], [sflag:$0x3], $0x80, s22, s16, $0xb8;
	[tilespmem:$0x1E400] =	vst v63  }
0xa6: {  	_ =	swait.ge [sflag:s14], $0x4000  }
0xa7: {  	[sflag:s14] =	ssyncset.done $0x0  }
0xa8: {  	[sflag:s14] =	ssyncadd.s32 $0xFFFFC000  }
0xa9: {  	[tilespmem:s17], [sflag:$0x1] =	stream.indirect.gather [hbm4b:s4+s16], $0x80, s3, s16, $0xb8;
	[tilespmem:$0x1E400] =	vst v63  }
0xaa: {  	_ =	swait.ge [sflag:s20], $0x4000  }
0xab: {  	[sflag:s20] =	ssyncset.done $0x0  }
0xac: {  	[sflag:s20] =	ssyncadd.s32 $0xFFFFC000  }
0xad: {  	[spmem:s1] =	stream.indirect.scatter.add.f32 [tilespmem:s18], [sflag:$0x3], $0x80, s23, s16, $0xb8;
	[tilespmem:$0x1E400] =	vst v63  }
0xae: {  	_ =	swait.ge [sflag:s14], $0x4000  }
0xaf: {  	[sflag:s14] =	ssyncset.done $0x0  }
0xb0: {  	[sflag:s14] =	ssyncadd.s32 $0xFFFFC000  }
0xb1: {  	_ =	swait.ge [sflag:s19], $0x4000  }
0xb2: {  	s24 =	sadd.s32 $0x1, s24;
	[sflag:s19] =	ssyncset.done $0x0  }
0xb3: {  	p0 =	sne.s32 s24, s8;
	[sflag:s19] =	ssyncadd.s32 $0xFFFFC000  }
.Ltmp2:
0xb4: {  	[bflag:$0x0] =	sbarrier.arrive $0xFFFF;
	(pc) =	sbr.rel @p0 .LBB2_1-.Ltmp2, $4  }
0xb5: {  	[hbm:s7], [sflag:s6] =	dma.local [spmem:s13], $0x2780  }
0xb6: {  	_ =	swait.ge [sflag:s14], $0x2780  }
0xb7: {  	[sflag:s14] =	ssyncset.done $0x0  }
0xb8: {  	[sflag:s14] =	ssyncadd.s32 $0xFFFFD880  }
0xb9: {  	_ =	sfence.sel $0x180000  }
0xba: {  	[bflag:$0x0] =	sbarrier.arrive $0xFFFF  }
0xbb: {  	p0 =	sne.s32 s2, $0x0;
	_ =	strace $0x9000004A  }
0xbc: {  	s0 =	sadd.s32 @!p0 $0x100000, s0;
	[bflag:$0x2] =	sbarrier.arrive $0xFFFF  }
0xbd: {  	[sflag:s0] =	ssyncadd.tile.s32 @!p0 $0x1;
	_ =	shalt  }
.Lfunc_end2:
_tile_overlayer_lowered:
.L_overlay_start_2:
0xbe: {  	(tag) =	ssettag $0x2  }
0xbf: {  	s0 =	rddreg [dreg:$0x0];
	s2 =	stileid.u32  }
0xc0: {  	s1 =	rddreg [dreg:$0x1];
	p0 =	sne.s32 s2, $0x0  }
0xc1: {  	s3 =	rddreg [dreg:$0x2];
	[bflag:$0x3] =	sbarrier.arrive $0xFFFF;
	s2 =	simm.s32 @!p0 $0x1C03  }
0xc2: {  	[timem:s3], [sflag:s2] =	dma.local @!p0 [hbm:s0], s1  }
0xc3: {  	s0 =	simm.s32 @!p0 $0x3  }
0xc4: {  	_ =	swait.ge @!p0 [sflag:s0], s1  }
0xc5: {  	s1 =	ssub.s32 @!p0 $0x0, s1;
	[sflag:s0] =	ssyncset.done @!p0 $0x0  }
0xc6: {  	[sflag:s0] =	ssyncadd.s32 @!p0 s1  }
0xc7: {  	[bflag:$0x3] =	sbarrier.arrive $0xFFFF  }
0xc8: {  	_ =	shalt  }

</sc_bundles>
